<compile_context>
chip_gen: v7x
topology: tpu7x:2x2x1
jax: 0.10.2.dev20260603
libtpu: 0.0.44.dev20260713+nightly
codegen_flags: <defaults>
</compile_context>

<pallas_src>
import functools

import jax
import jax.numpy as jnp
from jax import lax
from jax.experimental import pallas as pl
from jax.experimental.pallas import tpu as pltpu
from jax.experimental.pallas import tpu_sc as plsc

_NUM = 1000000
_DIM = 32
_BATCH = 16384
_FIELDS = 26
_B = _BATCH * _FIELDS
_NC = 2
_NS = 16
_NW = _NC * _NS
_BPW = _B // _NW
_CHUNK = 1024
_NCHUNK = _BPW // _CHUNK
_NBUF = 3

_TCOLS = 65536
_TQ = _TCOLS // 4
_TGRID = (_NUM + _TCOLS - 1) // _TCOLS


def _detranspose_body(t_ref, o_ref):
    t = t_ref[...]
    m = jnp.concatenate(
        [t[:, q * _TQ:(q + 1) * _TQ] for q in range(4)], axis=0)
    o_ref[...] = m.T.reshape(_TQ * 128)


_detranspose = pl.pallas_call(
    _detranspose_body,
    grid=(_TGRID,),
    in_specs=[pl.BlockSpec((_DIM, _TCOLS), lambda j: (0, j))],
    out_specs=pl.BlockSpec((_TQ * 128,), lambda j: (j,)),
    out_shape=jax.ShapeDtypeStruct((_TGRID * _TQ * 128,), jnp.float32),
)

_mesh = plsc.VectorSubcoreMesh(core_axis_name="c", subcore_axis_name="s")


@functools.partial(
    pl.kernel,
    mesh=_mesh,
    out_type=jax.ShapeDtypeStruct((_B, _DIM), jnp.float32),
    scratch_types=[
        pltpu.VMEM((_BPW,), jnp.int32),
        *[pltpu.VMEM((_CHUNK, _DIM), jnp.float32) for _ in range(_NBUF)],
        pltpu.SemaphoreType.DMA,
        *[pltpu.SemaphoreType.DMA for _ in range(_NBUF)],
        *[pltpu.SemaphoreType.DMA for _ in range(_NBUF)],
    ],
    compiler_params=pltpu.CompilerParams(use_tc_tiling_on_sc=False),
)
def _gather_kernel(idx_hbm, table_hbm, out_hbm, idx_v, *rest):
    rows = rest[:_NBUF]
    sem_i = rest[_NBUF]
    sem_g = rest[_NBUF + 1:2 * _NBUF + 1]
    sem_w = rest[2 * _NBUF + 1:]

    wid = lax.axis_index("s") * _NC + lax.axis_index("c")
    base = wid * _BPW
    pltpu.async_copy(idx_hbm.at[pl.ds(base, _BPW)], idx_v, sem_i).wait()

    gathers = [None] * _NCHUNK
    writes = [None] * _NCHUNK

    def fire_gather(i):
        b = i % _NBUF
        gathers[i] = pltpu.async_copy(
            table_hbm.at[idx_v.at[pl.ds(i * _CHUNK, _CHUNK)]],
            rows[b], sem_g[b])

    def fire_write(j):
        b = j % _NBUF
        writes[j] = pltpu.async_copy(
            rows[b], out_hbm.at[pl.ds(base + j * _CHUNK, _CHUNK)], sem_w[b])

    for i in range(_NCHUNK):
        if i >= _NBUF:
            writes[i - _NBUF].wait()
        fire_gather(i)
        if i >= _NBUF - 1:
            j = i - (_NBUF - 1)
            gathers[j].wait()
            fire_write(j)
    for j in range(_NCHUNK - (_NBUF - 1), _NCHUNK):
        gathers[j].wait()
        fire_write(j)
    for j in range(_NCHUNK - _NBUF, _NCHUNK):
        writes[j].wait()


_OQ = _BATCH // 4


def _out_transpose_body(g_ref, o_ref):
    g = g_ref[...].reshape(_OQ, 128)
    parts = g.T.reshape(4, _DIM, _OQ)
    blk = jnp.concatenate([parts[q] for q in range(4)], axis=1)
    o_ref[...] = blk.reshape(1, _DIM, _BATCH)


_out_transpose = pl.pallas_call(
    _out_transpose_body,
    grid=(_FIELDS,),
    in_specs=[pl.BlockSpec((_OQ * 128,), lambda f: (f,))],
    out_specs=pl.BlockSpec((1, _DIM, _BATCH), lambda f: (f, 0, 0)),
    out_shape=jax.ShapeDtypeStruct((_FIELDS, _DIM, _BATCH), jnp.float32),
)


def kernel(token_ids, embeddings):
    table_lin = _detranspose(embeddings.T).reshape(-1, _DIM)

    ids = token_ids.astype(jnp.int32)
    j, u = ids // _TCOLS, ids % _TCOLS
    ids = 4 * (j * _TQ + u % _TQ) + u // _TQ

    idx = ids.T.reshape(_FIELDS, 4, _OQ).swapaxes(1, 2).reshape(-1)

    g = _gather_kernel(idx, table_lin)
    o2 = _out_transpose(g.reshape(-1))
    return o2.transpose(2, 0, 1)

# --- scband reference (transcript-rebuilt; emitter-appended) ---
"""Pipeline reference for scband-embedding-15573551415873 (READ-ONLY COPY).

The authoritative reference and input builder live on the scoring server;
editing this copy changes nothing except your own understanding.
"""

import jax, jax.numpy as jnp
import numpy as np

NUM_EMBEDDINGS = 1000000
EMBEDDING_DIM = 32
BATCH = 16384
FIELDS = 26

def setup_inputs(seed: int = 0) -> dict:
    key = jax.random.key(seed)
    k_idx, k_emb = jax.random.split(key)
    token_ids = jax.random.randint(k_idx, (BATCH, FIELDS), 0, NUM_EMBEDDINGS, dtype=jnp.int64 if jax.config.jax_enable_x64 else jnp.int32)
    # trunc_normal_(mean=0, std=1, a=-3, b=3)
    embeddings = jax.random.truncated_normal(k_emb, -3.0, 3.0, (NUM_EMBEDDINGS, EMBEDDING_DIM), dtype=jnp.float32)
    return {"token_ids": token_ids, "embeddings": embeddings}

def reference(token_ids, embeddings):
    # Faithful translation of Embedding.forward: self.embeddings[token_ids]
    return jnp.take(embeddings, token_ids, axis=0)

if __name__ == "__main__":
    import jax
    _d = setup_inputs()
    print(jax.jit(kernel)(*tuple(_d.values())))

</pallas_src>

<mosaic_0001>
#map = affine_map<(d0, d1) -> (0)>
#map1 = affine_map<(d0, d1) -> (0, 0)>
module attributes {stable_mosaic.version = 14 : i64} {
  func.func @_gather_kernel(%arg0: i32, %arg1: i32, %arg2: memref<425984xi32, #tpu.memory_space<hbm>>, %arg3: memref<1048576x32xf32, #tpu.memory_space<hbm>>, %arg4: memref<425984x32xf32, #tpu.memory_space<hbm>>, %arg5: memref<13312xi32, #tpu.memory_space<vmem>>, %arg6: memref<1024x32xf32, #tpu.memory_space<vmem>>, %arg7: memref<1024x32xf32, #tpu.memory_space<vmem>>, %arg8: memref<1024x32xf32, #tpu.memory_space<vmem>>, %arg9: memref<!tpu.dma_semaphore, #tpu.memory_space<semaphore_mem>>, %arg10: memref<!tpu.dma_semaphore, #tpu.memory_space<semaphore_mem>>, %arg11: memref<!tpu.dma_semaphore, #tpu.memory_space<semaphore_mem>>, %arg12: memref<!tpu.dma_semaphore, #tpu.memory_space<semaphore_mem>>, %arg13: memref<!tpu.dma_semaphore, #tpu.memory_space<semaphore_mem>>, %arg14: memref<!tpu.dma_semaphore, #tpu.memory_space<semaphore_mem>>, %arg15: memref<!tpu.dma_semaphore, #tpu.memory_space<semaphore_mem>>) attributes {dimension_semantics = [#tpu.dimension_semantics<core_parallel>, #tpu.dimension_semantics<subcore_parallel>], iteration_bounds = array<i64: 2, 16>, scalar_prefetch = 0 : i64, scratch_operands = 11 : i64, tpu.core_type = #tpu.core_type<sc_vector_subcore>, window_params = [{transform_indices = #map}, {transform_indices = #map1}, {transform_indices = #map1}]} {
    %mul3A = arith.constant 2 : i32
    %mul3A_0 = arith.muli %arg1, %mul3A : i32
    %add3A = arith.addi %mul3A_0, %arg0 : i32
    %mul3A_1 = arith.constant 13312 : i32
    %mul3A_2 = arith.muli %add3A, %mul3A_1 : i32
    %dma_start3A = tpu.memref_slice %arg2[%mul3A_2] : memref<425984xi32, #tpu.memory_space<hbm>> -> memref<13312xi32, #tpu.memory_space<hbm>>
    %dma_start3A_3 = tpu.memref_slice %arg2[%mul3A_2] : memref<425984xi32, #tpu.memory_space<hbm>> -> memref<13312xi32, #tpu.memory_space<hbm>>
    tpu.enqueue_dma source(%dma_start3A_3 : memref<13312xi32, #tpu.memory_space<hbm>>) target(%arg5 : memref<13312xi32, #tpu.memory_space<vmem>>) target_semaphore(%arg9 : memref<!tpu.dma_semaphore, #tpu.memory_space<semaphore_mem>>)
    %dma_wait3A = tpu.memref_slice %arg2[%mul3A_2] : memref<425984xi32, #tpu.memory_space<hbm>> -> memref<13312xi32, #tpu.memory_space<hbm>>
    %dma_wait3A_4 = tpu.memref_slice %arg2[%mul3A_2] : memref<425984xi32, #tpu.memory_space<hbm>> -> memref<13312xi32, #tpu.memory_space<hbm>>
    tpu.wait_dma2 semaphore(%arg9 : memref<!tpu.dma_semaphore, #tpu.memory_space<semaphore_mem>>) src(%dma_wait3A_4 : memref<13312xi32, #tpu.memory_space<hbm>>) dst(%arg5 : memref<13312xi32, #tpu.memory_space<vmem>>)
    %dma_start3A_5 = arith.constant 0 : i32
    %dma_start3A_6 = tpu.memref_slice %arg5[%dma_start3A_5] : memref<13312xi32, #tpu.memory_space<vmem>> -> memref<1024xi32, #tpu.memory_space<vmem>>
    %dma_start3A_7 = arith.constant 0 : i32
    %dma_start3A_8 = arith.constant 0 : i32
    %dma_start3A_9 = tpu.memref_slice %arg3[%dma_start3A_7, %dma_start3A_8] : memref<1048576x32xf32, #tpu.memory_space<hbm>> -> memref<1048576x32xf32, #tpu.memory_space<hbm>>
    tpu.enqueue_indirect_dma source(%dma_start3A_9 : memref<1048576x32xf32, #tpu.memory_space<hbm>>) target(%arg6 : memref<1024x32xf32, #tpu.memory_space<vmem>>) offsets(%dma_start3A_6 : memref<1024xi32, #tpu.memory_space<vmem>>) semaphore(%arg10 : memref<!tpu.dma_semaphore, #tpu.memory_space<semaphore_mem>>)
    %dma_start3A_10 = arith.constant 1024 : i32
    %dma_start3A_11 = tpu.memref_slice %arg5[%dma_start3A_10] : memref<13312xi32, #tpu.memory_space<vmem>> -> memref<1024xi32, #tpu.memory_space<vmem>>
    %dma_start3A_12 = arith.constant 0 : i32
    %dma_start3A_13 = arith.constant 0 : i32
    %dma_start3A_14 = tpu.memref_slice %arg3[%dma_start3A_12, %dma_start3A_13] : memref<1048576x32xf32, #tpu.memory_space<hbm>> -> memref<1048576x32xf32, #tpu.memory_space<hbm>>
    tpu.enqueue_indirect_dma source(%dma_start3A_14 : memref<1048576x32xf32, #tpu.memory_space<hbm>>) target(%arg7 : memref<1024x32xf32, #tpu.memory_space<vmem>>) offsets(%dma_start3A_11 : memref<1024xi32, #tpu.memory_space<vmem>>) semaphore(%arg11 : memref<!tpu.dma_semaphore, #tpu.memory_space<semaphore_mem>>)
    %dma_start3A_15 = arith.constant 2048 : i32
    %dma_start3A_16 = tpu.memref_slice %arg5[%dma_start3A_15] : memref<13312xi32, #tpu.memory_space<vmem>> -> memref<1024xi32, #tpu.memory_space<vmem>>
    %dma_start3A_17 = arith.constant 0 : i32
    %dma_start3A_18 = arith.constant 0 : i32
    %dma_start3A_19 = tpu.memref_slice %arg3[%dma_start3A_17, %dma_start3A_18] : memref<1048576x32xf32, #tpu.memory_space<hbm>> -> memref<1048576x32xf32, #tpu.memory_space<hbm>>
    tpu.enqueue_indirect_dma source(%dma_start3A_19 : memref<1048576x32xf32, #tpu.memory_space<hbm>>) target(%arg8 : memref<1024x32xf32, #tpu.memory_space<vmem>>) offsets(%dma_start3A_16 : memref<1024xi32, #tpu.memory_space<vmem>>) semaphore(%arg12 : memref<!tpu.dma_semaphore, #tpu.memory_space<semaphore_mem>>)
    %dma_wait3A_20 = arith.constant 0 : i32
    %dma_wait3A_21 = tpu.memref_slice %arg5[%dma_wait3A_20] : memref<13312xi32, #tpu.memory_space<vmem>> -> memref<1024xi32, #tpu.memory_space<vmem>>
    %dma_wait3A_22 = arith.constant 0 : i32
    %dma_wait3A_23 = arith.constant 0 : i32
    %dma_wait3A_24 = tpu.memref_slice %arg3[%dma_wait3A_22, %dma_wait3A_23] : memref<1048576x32xf32, #tpu.memory_space<hbm>> -> memref<1048576x32xf32, #tpu.memory_space<hbm>>
    tpu.wait_indirect_dma semaphore(%arg10 : memref<!tpu.dma_semaphore, #tpu.memory_space<semaphore_mem>>) src(%dma_wait3A_24 : memref<1048576x32xf32, #tpu.memory_space<hbm>>) dst(%arg6 : memref<1024x32xf32, #tpu.memory_space<vmem>>)
    %add3A_25 = arith.constant 0 : i32
    %add3A_26 = arith.addi %mul3A_2, %add3A_25 : i32
    %dma_start3A_27 = arith.constant 0 : i32
    %dma_start3A_28 = tpu.memref_slice %arg4[%add3A_26, %dma_start3A_27] : memref<425984x32xf32, #tpu.memory_space<hbm>> -> memref<1024x32xf32, #tpu.memory_space<hbm>>
    %dma_start3A_29 = arith.constant 0 : i32
    %dma_start3A_30 = tpu.memref_slice %arg4[%add3A_26, %dma_start3A_29] : memref<425984x32xf32, #tpu.memory_space<hbm>> -> memref<1024x32xf32, #tpu.memory_space<hbm>>
    tpu.enqueue_dma source(%arg6 : memref<1024x32xf32, #tpu.memory_space<vmem>>) target(%dma_start3A_30 : memref<1024x32xf32, #tpu.memory_space<hbm>>) target_semaphore(%arg13 : memref<!tpu.dma_semaphore, #tpu.memory_space<semaphore_mem>>)
    %dma_wait3A_31 = arith.constant 0 : i32
    %dma_wait3A_32 = tpu.memref_slice %arg4[%add3A_26, %dma_wait3A_31] : memref<425984x32xf32, #tpu.memory_space<hbm>> -> memref<1024x32xf32, #tpu.memory_space<hbm>>
    %dma_wait3A_33 = arith.constant 0 : i32
    %dma_wait3A_34 = tpu.memref_slice %arg4[%add3A_26, %dma_wait3A_33] : memref<425984x32xf32, #tpu.memory_space<hbm>> -> memref<1024x32xf32, #tpu.memory_space<hbm>>
    tpu.wait_dma2 semaphore(%arg13 : memref<!tpu.dma_semaphore, #tpu.memory_space<semaphore_mem>>) src(%arg6 : memref<1024x32xf32, #tpu.memory_space<vmem>>) dst(%dma_wait3A_34 : memref<1024x32xf32, #tpu.memory_space<hbm>>)
    %dma_start3A_35 = arith.constant 3072 : i32
    %dma_start3A_36 = tpu.memref_slice %arg5[%dma_start3A_35] : memref<13312xi32, #tpu.memory_space<vmem>> -> memref<1024xi32, #tpu.memory_space<vmem>>
    %dma_start3A_37 = arith.constant 0 : i32
    %dma_start3A_38 = arith.constant 0 : i32
    %dma_start3A_39 = tpu.memref_slice %arg3[%dma_start3A_37, %dma_start3A_38] : memref<1048576x32xf32, #tpu.memory_space<hbm>> -> memref<1048576x32xf32, #tpu.memory_space<hbm>>
    tpu.enqueue_indirect_dma source(%dma_start3A_39 : memref<1048576x32xf32, #tpu.memory_space<hbm>>) target(%arg6 : memref<1024x32xf32, #tpu.memory_space<vmem>>) offsets(%dma_start3A_36 : memref<1024xi32, #tpu.memory_space<vmem>>) semaphore(%arg10 : memref<!tpu.dma_semaphore, #tpu.memory_space<semaphore_mem>>)
    %dma_wait3A_40 = arith.constant 1024 : i32
    %dma_wait3A_41 = tpu.memref_slice %arg5[%dma_wait3A_40] : memref<13312xi32, #tpu.memory_space<vmem>> -> memref<1024xi32, #tpu.memory_space<vmem>>
    %dma_wait3A_42 = arith.constant 0 : i32
    %dma_wait3A_43 = arith.constant 0 : i32
    %dma_wait3A_44 = tpu.memref_slice %arg3[%dma_wait3A_42, %dma_wait3A_43] : memref<1048576x32xf32, #tpu.memory_space<hbm>> -> memref<1048576x32xf32, #tpu.memory_space<hbm>>
    tpu.wait_indirect_dma semaphore(%arg11 : memref<!tpu.dma_semaphore, #tpu.memory_space<semaphore_mem>>) src(%dma_wait3A_44 : memref<1048576x32xf32, #tpu.memory_space<hbm>>) dst(%arg7 : memref<1024x32xf32, #tpu.memory_space<vmem>>)
    %add3A_45 = arith.constant 1024 : i32
    %add3A_46 = arith.addi %mul3A_2, %add3A_45 : i32
    %dma_start3A_47 = arith.constant 0 : i32
    %dma_start3A_48 = tpu.memref_slice %arg4[%add3A_46, %dma_start3A_47] : memref<425984x32xf32, #tpu.memory_space<hbm>> -> memref<1024x32xf32, #tpu.memory_space<hbm>>
    %dma_start3A_49 = arith.constant 0 : i32
    %dma_start3A_50 = tpu.memref_slice %arg4[%add3A_46, %dma_start3A_49] : memref<425984x32xf32, #tpu.memory_space<hbm>> -> memref<1024x32xf32, #tpu.memory_space<hbm>>
    tpu.enqueue_dma source(%arg7 : memref<1024x32xf32, #tpu.memory_space<vmem>>) target(%dma_start3A_50 : memref<1024x32xf32, #tpu.memory_space<hbm>>) target_semaphore(%arg14 : memref<!tpu.dma_semaphore, #tpu.memory_space<semaphore_mem>>)
    %dma_wait3A_51 = arith.constant 0 : i32
    %dma_wait3A_52 = tpu.memref_slice %arg4[%add3A_46, %dma_wait3A_51] : memref<425984x32xf32, #tpu.memory_space<hbm>> -> memref<1024x32xf32, #tpu.memory_space<hbm>>
    %dma_wait3A_53 = arith.constant 0 : i32
    %dma_wait3A_54 = tpu.memref_slice %arg4[%add3A_46, %dma_wait3A_53] : memref<425984x32xf32, #tpu.memory_space<hbm>> -> memref<1024x32xf32, #tpu.memory_space<hbm>>
    tpu.wait_dma2 semaphore(%arg14 : memref<!tpu.dma_semaphore, #tpu.memory_space<semaphore_mem>>) src(%arg7 : memref<1024x32xf32, #tpu.memory_space<vmem>>) dst(%dma_wait3A_54 : memref<1024x32xf32, #tpu.memory_space<hbm>>)
    %dma_start3A_55 = arith.constant 4096 : i32
    %dma_start3A_56 = tpu.memref_slice %arg5[%dma_start3A_55] : memref<13312xi32, #tpu.memory_space<vmem>> -> memref<1024xi32, #tpu.memory_space<vmem>>
    %dma_start3A_57 = arith.constant 0 : i32
    %dma_start3A_58 = arith.constant 0 : i32
    %dma_start3A_59 = tpu.memref_slice %arg3[%dma_start3A_57, %dma_start3A_58] : memref<1048576x32xf32, #tpu.memory_space<hbm>> -> memref<1048576x32xf32, #tpu.memory_space<hbm>>
    tpu.enqueue_indirect_dma source(%dma_start3A_59 : memref<1048576x32xf32, #tpu.memory_space<hbm>>) target(%arg7 : memref<1024x32xf32, #tpu.memory_space<vmem>>) offsets(%dma_start3A_56 : memref<1024xi32, #tpu.memory_space<vmem>>) semaphore(%arg11 : memref<!tpu.dma_semaphore, #tpu.memory_space<semaphore_mem>>)
    %dma_wait3A_60 = arith.constant 2048 : i32
    %dma_wait3A_61 = tpu.memref_slice %arg5[%dma_wait3A_60] : memref<13312xi32, #tpu.memory_space<vmem>> -> memref<1024xi32, #tpu.memory_space<vmem>>
    %dma_wait3A_62 = arith.constant 0 : i32
    %dma_wait3A_63 = arith.constant 0 : i32
    %dma_wait3A_64 = tpu.memref_slice %arg3[%dma_wait3A_62, %dma_wait3A_63] : memref<1048576x32xf32, #tpu.memory_space<hbm>> -> memref<1048576x32xf32, #tpu.memory_space<hbm>>
    tpu.wait_indirect_dma semaphore(%arg12 : memref<!tpu.dma_semaphore, #tpu.memory_space<semaphore_mem>>) src(%dma_wait3A_64 : memref<1048576x32xf32, #tpu.memory_space<hbm>>) dst(%arg8 : memref<1024x32xf32, #tpu.memory_space<vmem>>)
    %add3A_65 = arith.constant 2048 : i32
    %add3A_66 = arith.addi %mul3A_2, %add3A_65 : i32
    %dma_start3A_67 = arith.constant 0 : i32
    %dma_start3A_68 = tpu.memref_slice %arg4[%add3A_66, %dma_start3A_67] : memref<425984x32xf32, #tpu.memory_space<hbm>> -> memref<1024x32xf32, #tpu.memory_space<hbm>>
    %dma_start3A_69 = arith.constant 0 : i32
    %dma_start3A_70 = tpu.memref_slice %arg4[%add3A_66, %dma_start3A_69] : memref<425984x32xf32, #tpu.memory_space<hbm>> -> memref<1024x32xf32, #tpu.memory_space<hbm>>
    tpu.enqueue_dma source(%arg8 : memref<1024x32xf32, #tpu.memory_space<vmem>>) target(%dma_start3A_70 : memref<1024x32xf32, #tpu.memory_space<hbm>>) target_semaphore(%arg15 : memref<!tpu.dma_semaphore, #tpu.memory_space<semaphore_mem>>)
    %dma_wait3A_71 = arith.constant 0 : i32
    %dma_wait3A_72 = tpu.memref_slice %arg4[%add3A_66, %dma_wait3A_71] : memref<425984x32xf32, #tpu.memory_space<hbm>> -> memref<1024x32xf32, #tpu.memory_space<hbm>>
    %dma_wait3A_73 = arith.constant 0 : i32
    %dma_wait3A_74 = tpu.memref_slice %arg4[%add3A_66, %dma_wait3A_73] : memref<425984x32xf32, #tpu.memory_space<hbm>> -> memref<1024x32xf32, #tpu.memory_space<hbm>>
    tpu.wait_dma2 semaphore(%arg15 : memref<!tpu.dma_semaphore, #tpu.memory_space<semaphore_mem>>) src(%arg8 : memref<1024x32xf32, #tpu.memory_space<vmem>>) dst(%dma_wait3A_74 : memref<1024x32xf32, #tpu.memory_space<hbm>>)
    %dma_start3A_75 = arith.constant 5120 : i32
    %dma_start3A_76 = tpu.memref_slice %arg5[%dma_start3A_75] : memref<13312xi32, #tpu.memory_space<vmem>> -> memref<1024xi32, #tpu.memory_space<vmem>>
    %dma_start3A_77 = arith.constant 0 : i32
    %dma_start3A_78 = arith.constant 0 : i32
    %dma_start3A_79 = tpu.memref_slice %arg3[%dma_start3A_77, %dma_start3A_78] : memref<1048576x32xf32, #tpu.memory_space<hbm>> -> memref<1048576x32xf32, #tpu.memory_space<hbm>>
    tpu.enqueue_indirect_dma source(%dma_start3A_79 : memref<1048576x32xf32, #tpu.memory_space<hbm>>) target(%arg8 : memref<1024x32xf32, #tpu.memory_space<vmem>>) offsets(%dma_start3A_76 : memref<1024xi32, #tpu.memory_space<vmem>>) semaphore(%arg12 : memref<!tpu.dma_semaphore, #tpu.memory_space<semaphore_mem>>)
    %dma_wait3A_80 = arith.constant 3072 : i32
    %dma_wait3A_81 = tpu.memref_slice %arg5[%dma_wait3A_80] : memref<13312xi32, #tpu.memory_space<vmem>> -> memref<1024xi32, #tpu.memory_space<vmem>>
    %dma_wait3A_82 = arith.constant 0 : i32
    %dma_wait3A_83 = arith.constant 0 : i32
    %dma_wait3A_84 = tpu.memref_slice %arg3[%dma_wait3A_82, %dma_wait3A_83] : memref<1048576x32xf32, #tpu.memory_space<hbm>> -> memref<1048576x32xf32, #tpu.memory_space<hbm>>
    tpu.wait_indirect_dma semaphore(%arg10 : memref<!tpu.dma_semaphore, #tpu.memory_space<semaphore_mem>>) src(%dma_wait3A_84 : memref<1048576x32xf32, #tpu.memory_space<hbm>>) dst(%arg6 : memref<1024x32xf32, #tpu.memory_space<vmem>>)
    %add3A_85 = arith.constant 3072 : i32
    %add3A_86 = arith.addi %mul3A_2, %add3A_85 : i32
    %dma_start3A_87 = arith.constant 0 : i32
    %dma_start3A_88 = tpu.memref_slice %arg4[%add3A_86, %dma_start3A_87] : memref<425984x32xf32, #tpu.memory_space<hbm>> -> memref<1024x32xf32, #tpu.memory_space<hbm>>
    %dma_start3A_89 = arith.constant 0 : i32
    %dma_start3A_90 = tpu.memref_slice %arg4[%add3A_86, %dma_start3A_89] : memref<425984x32xf32, #tpu.memory_space<hbm>> -> memref<1024x32xf32, #tpu.memory_space<hbm>>
    tpu.enqueue_dma source(%arg6 : memref<1024x32xf32, #tpu.memory_space<vmem>>) target(%dma_start3A_90 : memref<1024x32xf32, #tpu.memory_space<hbm>>) target_semaphore(%arg13 : memref<!tpu.dma_semaphore, #tpu.memory_space<semaphore_mem>>)
    %dma_wait3A_91 = arith.constant 0 : i32
    %dma_wait3A_92 = tpu.memref_slice %arg4[%add3A_86, %dma_wait3A_91] : memref<425984x32xf32, #tpu.memory_space<hbm>> -> memref<1024x32xf32, #tpu.memory_space<hbm>>
    %dma_wait3A_93 = arith.constant 0 : i32
    %dma_wait3A_94 = tpu.memref_slice %arg4[%add3A_86, %dma_wait3A_93] : memref<425984x32xf32, #tpu.memory_space<hbm>> -> memref<1024x32xf32, #tpu.memory_space<hbm>>
    tpu.wait_dma2 semaphore(%arg13 : memref<!tpu.dma_semaphore, #tpu.memory_space<semaphore_mem>>) src(%arg6 : memref<1024x32xf32, #tpu.memory_space<vmem>>) dst(%dma_wait3A_94 : memref<1024x32xf32, #tpu.memory_space<hbm>>)
    %dma_start3A_95 = arith.constant 6144 : i32
    %dma_start3A_96 = tpu.memref_slice %arg5[%dma_start3A_95] : memref<13312xi32, #tpu.memory_space<vmem>> -> memref<1024xi32, #tpu.memory_space<vmem>>
    %dma_start3A_97 = arith.constant 0 : i32
    %dma_start3A_98 = arith.constant 0 : i32
    %dma_start3A_99 = tpu.memref_slice %arg3[%dma_start3A_97, %dma_start3A_98] : memref<1048576x32xf32, #tpu.memory_space<hbm>> -> memref<1048576x32xf32, #tpu.memory_space<hbm>>
    tpu.enqueue_indirect_dma source(%dma_start3A_99 : memref<1048576x32xf32, #tpu.memory_space<hbm>>) target(%arg6 : memref<1024x32xf32, #tpu.memory_space<vmem>>) offsets(%dma_start3A_96 : memref<1024xi32, #tpu.memory_space<vmem>>) semaphore(%arg10 : memref<!tpu.dma_semaphore, #tpu.memory_space<semaphore_mem>>)
    %dma_wait3A_100 = arith.constant 4096 : i32
    %dma_wait3A_101 = tpu.memref_slice %arg5[%dma_wait3A_100] : memref<13312xi32, #tpu.memory_space<vmem>> -> memref<1024xi32, #tpu.memory_space<vmem>>
    %dma_wait3A_102 = arith.constant 0 : i32
    %dma_wait3A_103 = arith.constant 0 : i32
    %dma_wait3A_104 = tpu.memref_slice %arg3[%dma_wait3A_102, %dma_wait3A_103] : memref<1048576x32xf32, #tpu.memory_space<hbm>> -> memref<1048576x32xf32, #tpu.memory_space<hbm>>
    tpu.wait_indirect_dma semaphore(%arg11 : memref<!tpu.dma_semaphore, #tpu.memory_space<semaphore_mem>>) src(%dma_wait3A_104 : memref<1048576x32xf32, #tpu.memory_space<hbm>>) dst(%arg7 : memref<1024x32xf32, #tpu.memory_space<vmem>>)
    %add3A_105 = arith.constant 4096 : i32
    %add3A_106 = arith.addi %mul3A_2, %add3A_105 : i32
    %dma_start3A_107 = arith.constant 0 : i32
    %dma_start3A_108 = tpu.memref_slice %arg4[%add3A_106, %dma_start3A_107] : memref<425984x32xf32, #tpu.memory_space<hbm>> -> memref<1024x32xf32, #tpu.memory_space<hbm>>
    %dma_start3A_109 = arith.constant 0 : i32
    %dma_start3A_110 = tpu.memref_slice %arg4[%add3A_106, %dma_start3A_109] : memref<425984x32xf32, #tpu.memory_space<hbm>> -> memref<1024x32xf32, #tpu.memory_space<hbm>>
    tpu.enqueue_dma source(%arg7 : memref<1024x32xf32, #tpu.memory_space<vmem>>) target(%dma_start3A_110 : memref<1024x32xf32, #tpu.memory_space<hbm>>) target_semaphore(%arg14 : memref<!tpu.dma_semaphore, #tpu.memory_space<semaphore_mem>>)
    %dma_wait3A_111 = arith.constant 0 : i32
    %dma_wait3A_112 = tpu.memref_slice %arg4[%add3A_106, %dma_wait3A_111] : memref<425984x32xf32, #tpu.memory_space<hbm>> -> memref<1024x32xf32, #tpu.memory_space<hbm>>
    %dma_wait3A_113 = arith.constant 0 : i32
    %dma_wait3A_114 = tpu.memref_slice %arg4[%add3A_106, %dma_wait3A_113] : memref<425984x32xf32, #tpu.memory_space<hbm>> -> memref<1024x32xf32, #tpu.memory_space<hbm>>
    tpu.wait_dma2 semaphore(%arg14 : memref<!tpu.dma_semaphore, #tpu.memory_space<semaphore_mem>>) src(%arg7 : memref<1024x32xf32, #tpu.memory_space<vmem>>) dst(%dma_wait3A_114 : memref<1024x32xf32, #tpu.memory_space<hbm>>)
    %dma_start3A_115 = arith.constant 7168 : i32
    %dma_start3A_116 = tpu.memref_slice %arg5[%dma_start3A_115] : memref<13312xi32, #tpu.memory_space<vmem>> -> memref<1024xi32, #tpu.memory_space<vmem>>
    %dma_start3A_117 = arith.constant 0 : i32
    %dma_start3A_118 = arith.constant 0 : i32
    %dma_start3A_119 = tpu.memref_slice %arg3[%dma_start3A_117, %dma_start3A_118] : memref<1048576x32xf32, #tpu.memory_space<hbm>> -> memref<1048576x32xf32, #tpu.memory_space<hbm>>
    tpu.enqueue_indirect_dma source(%dma_start3A_119 : memref<1048576x32xf32, #tpu.memory_space<hbm>>) target(%arg7 : memref<1024x32xf32, #tpu.memory_space<vmem>>) offsets(%dma_start3A_116 : memref<1024xi32, #tpu.memory_space<vmem>>) semaphore(%arg11 : memref<!tpu.dma_semaphore, #tpu.memory_space<semaphore_mem>>)
    %dma_wait3A_120 = arith.constant 5120 : i32
    %dma_wait3A_121 = tpu.memref_slice %arg5[%dma_wait3A_120] : memref<13312xi32, #tpu.memory_space<vmem>> -> memref<1024xi32, #tpu.memory_space<vmem>>
    %dma_wait3A_122 = arith.constant 0 : i32
    %dma_wait3A_123 = arith.constant 0 : i32
    %dma_wait3A_124 = tpu.memref_slice %arg3[%dma_wait3A_122, %dma_wait3A_123] : memref<1048576x32xf32, #tpu.memory_space<hbm>> -> memref<1048576x32xf32, #tpu.memory_space<hbm>>
    tpu.wait_indirect_dma semaphore(%arg12 : memref<!tpu.dma_semaphore, #tpu.memory_space<semaphore_mem>>) src(%dma_wait3A_124 : memref<1048576x32xf32, #tpu.memory_space<hbm>>) dst(%arg8 : memref<1024x32xf32, #tpu.memory_space<vmem>>)
    %add3A_125 = arith.constant 5120 : i32
    %add3A_126 = arith.addi %mul3A_2, %add3A_125 : i32
    %dma_start3A_127 = arith.constant 0 : i32
    %dma_start3A_128 = tpu.memref_slice %arg4[%add3A_126, %dma_start3A_127] : memref<425984x32xf32, #tpu.memory_space<hbm>> -> memref<1024x32xf32, #tpu.memory_space<hbm>>
    %dma_start3A_129 = arith.constant 0 : i32
    %dma_start3A_130 = tpu.memref_slice %arg4[%add3A_126, %dma_start3A_129] : memref<425984x32xf32, #tpu.memory_space<hbm>> -> memref<1024x32xf32, #tpu.memory_space<hbm>>
    tpu.enqueue_dma source(%arg8 : memref<1024x32xf32, #tpu.memory_space<vmem>>) target(%dma_start3A_130 : memref<1024x32xf32, #tpu.memory_space<hbm>>) target_semaphore(%arg15 : memref<!tpu.dma_semaphore, #tpu.memory_space<semaphore_mem>>)
    %dma_wait3A_131 = arith.constant 0 : i32
    %dma_wait3A_132 = tpu.memref_slice %arg4[%add3A_126, %dma_wait3A_131] : memref<425984x32xf32, #tpu.memory_space<hbm>> -> memref<1024x32xf32, #tpu.memory_space<hbm>>
    %dma_wait3A_133 = arith.constant 0 : i32
    %dma_wait3A_134 = tpu.memref_slice %arg4[%add3A_126, %dma_wait3A_133] : memref<425984x32xf32, #tpu.memory_space<hbm>> -> memref<1024x32xf32, #tpu.memory_space<hbm>>
    tpu.wait_dma2 semaphore(%arg15 : memref<!tpu.dma_semaphore, #tpu.memory_space<semaphore_mem>>) src(%arg8 : memref<1024x32xf32, #tpu.memory_space<vmem>>) dst(%dma_wait3A_134 : memref<1024x32xf32, #tpu.memory_space<hbm>>)
    %dma_start3A_135 = arith.constant 8192 : i32
    %dma_start3A_136 = tpu.memref_slice %arg5[%dma_start3A_135] : memref<13312xi32, #tpu.memory_space<vmem>> -> memref<1024xi32, #tpu.memory_space<vmem>>
    %dma_start3A_137 = arith.constant 0 : i32
    %dma_start3A_138 = arith.constant 0 : i32
    %dma_start3A_139 = tpu.memref_slice %arg3[%dma_start3A_137, %dma_start3A_138] : memref<1048576x32xf32, #tpu.memory_space<hbm>> -> memref<1048576x32xf32, #tpu.memory_space<hbm>>
    tpu.enqueue_indirect_dma source(%dma_start3A_139 : memref<1048576x32xf32, #tpu.memory_space<hbm>>) target(%arg8 : memref<1024x32xf32, #tpu.memory_space<vmem>>) offsets(%dma_start3A_136 : memref<1024xi32, #tpu.memory_space<vmem>>) semaphore(%arg12 : memref<!tpu.dma_semaphore, #tpu.memory_space<semaphore_mem>>)
    %dma_wait3A_140 = arith.constant 6144 : i32
    %dma_wait3A_141 = tpu.memref_slice %arg5[%dma_wait3A_140] : memref<13312xi32, #tpu.memory_space<vmem>> -> memref<1024xi32, #tpu.memory_space<vmem>>
    %dma_wait3A_142 = arith.constant 0 : i32
    %dma_wait3A_143 = arith.constant 0 : i32
    %dma_wait3A_144 = tpu.memref_slice %arg3[%dma_wait3A_142, %dma_wait3A_143] : memref<1048576x32xf32, #tpu.memory_space<hbm>> -> memref<1048576x32xf32, #tpu.memory_space<hbm>>
    tpu.wait_indirect_dma semaphore(%arg10 : memref<!tpu.dma_semaphore, #tpu.memory_space<semaphore_mem>>) src(%dma_wait3A_144 : memref<1048576x32xf32, #tpu.memory_space<hbm>>) dst(%arg6 : memref<1024x32xf32, #tpu.memory_space<vmem>>)
    %add3A_145 = arith.constant 6144 : i32
    %add3A_146 = arith.addi %mul3A_2, %add3A_145 : i32
    %dma_start3A_147 = arith.constant 0 : i32
    %dma_start3A_148 = tpu.memref_slice %arg4[%add3A_146, %dma_start3A_147] : memref<425984x32xf32, #tpu.memory_space<hbm>> -> memref<1024x32xf32, #tpu.memory_space<hbm>>
    %dma_start3A_149 = arith.constant 0 : i32
    %dma_start3A_150 = tpu.memref_slice %arg4[%add3A_146, %dma_start3A_149] : memref<425984x32xf32, #tpu.memory_space<hbm>> -> memref<1024x32xf32, #tpu.memory_space<hbm>>
    tpu.enqueue_dma source(%arg6 : memref<1024x32xf32, #tpu.memory_space<vmem>>) target(%dma_start3A_150 : memref<1024x32xf32, #tpu.memory_space<hbm>>) target_semaphore(%arg13 : memref<!tpu.dma_semaphore, #tpu.memory_space<semaphore_mem>>)
    %dma_wait3A_151 = arith.constant 0 : i32
    %dma_wait3A_152 = tpu.memref_slice %arg4[%add3A_146, %dma_wait3A_151] : memref<425984x32xf32, #tpu.memory_space<hbm>> -> memref<1024x32xf32, #tpu.memory_space<hbm>>
    %dma_wait3A_153 = arith.constant 0 : i32
    %dma_wait3A_154 = tpu.memref_slice %arg4[%add3A_146, %dma_wait3A_153] : memref<425984x32xf32, #tpu.memory_space<hbm>> -> memref<1024x32xf32, #tpu.memory_space<hbm>>
    tpu.wait_dma2 semaphore(%arg13 : memref<!tpu.dma_semaphore, #tpu.memory_space<semaphore_mem>>) src(%arg6 : memref<1024x32xf32, #tpu.memory_space<vmem>>) dst(%dma_wait3A_154 : memref<1024x32xf32, #tpu.memory_space<hbm>>)
    %dma_start3A_155 = arith.constant 9216 : i32
    %dma_start3A_156 = tpu.memref_slice %arg5[%dma_start3A_155] : memref<13312xi32, #tpu.memory_space<vmem>> -> memref<1024xi32, #tpu.memory_space<vmem>>
    %dma_start3A_157 = arith.constant 0 : i32
    %dma_start3A_158 = arith.constant 0 : i32
    %dma_start3A_159 = tpu.memref_slice %arg3[%dma_start3A_157, %dma_start3A_158] : memref<1048576x32xf32, #tpu.memory_space<hbm>> -> memref<1048576x32xf32, #tpu.memory_space<hbm>>
    tpu.enqueue_indirect_dma source(%dma_start3A_159 : memref<1048576x32xf32, #tpu.memory_space<hbm>>) target(%arg6 : memref<1024x32xf32, #tpu.memory_space<vmem>>) offsets(%dma_start3A_156 : memref<1024xi32, #tpu.memory_space<vmem>>) semaphore(%arg10 : memref<!tpu.dma_semaphore, #tpu.memory_space<semaphore_mem>>)
    %dma_wait3A_160 = arith.constant 7168 : i32
    %dma_wait3A_161 = tpu.memref_slice %arg5[%dma_wait3A_160] : memref<13312xi32, #tpu.memory_space<vmem>> -> memref<1024xi32, #tpu.memory_space<vmem>>
    %dma_wait3A_162 = arith.constant 0 : i32
    %dma_wait3A_163 = arith.constant 0 : i32
    %dma_wait3A_164 = tpu.memref_slice %arg3[%dma_wait3A_162, %dma_wait3A_163] : memref<1048576x32xf32, #tpu.memory_space<hbm>> -> memref<1048576x32xf32, #tpu.memory_space<hbm>>
    tpu.wait_indirect_dma semaphore(%arg11 : memref<!tpu.dma_semaphore, #tpu.memory_space<semaphore_mem>>) src(%dma_wait3A_164 : memref<1048576x32xf32, #tpu.memory_space<hbm>>) dst(%arg7 : memref<1024x32xf32, #tpu.memory_space<vmem>>)
    %add3A_165 = arith.constant 7168 : i32
    %add3A_166 = arith.addi %mul3A_2, %add3A_165 : i32
    %dma_start3A_167 = arith.constant 0 : i32
    %dma_start3A_168 = tpu.memref_slice %arg4[%add3A_166, %dma_start3A_167] : memref<425984x32xf32, #tpu.memory_space<hbm>> -> memref<1024x32xf32, #tpu.memory_space<hbm>>
    %dma_start3A_169 = arith.constant 0 : i32
    %dma_start3A_170 = tpu.memref_slice %arg4[%add3A_166, %dma_start3A_169] : memref<425984x32xf32, #tpu.memory_space<hbm>> -> memref<1024x32xf32, #tpu.memory_space<hbm>>
    tpu.enqueue_dma source(%arg7 : memref<1024x32xf32, #tpu.memory_space<vmem>>) target(%dma_start3A_170 : memref<1024x32xf32, #tpu.memory_space<hbm>>) target_semaphore(%arg14 : memref<!tpu.dma_semaphore, #tpu.memory_space<semaphore_mem>>)
    %dma_wait3A_171 = arith.constant 0 : i32
    %dma_wait3A_172 = tpu.memref_slice %arg4[%add3A_166, %dma_wait3A_171] : memref<425984x32xf32, #tpu.memory_space<hbm>> -> memref<1024x32xf32, #tpu.memory_space<hbm>>
    %dma_wait3A_173 = arith.constant 0 : i32
    %dma_wait3A_174 = tpu.memref_slice %arg4[%add3A_166, %dma_wait3A_173] : memref<425984x32xf32, #tpu.memory_space<hbm>> -> memref<1024x32xf32, #tpu.memory_space<hbm>>
    tpu.wait_dma2 semaphore(%arg14 : memref<!tpu.dma_semaphore, #tpu.memory_space<semaphore_mem>>) src(%arg7 : memref<1024x32xf32, #tpu.memory_space<vmem>>) dst(%dma_wait3A_174 : memref<1024x32xf32, #tpu.memory_space<hbm>>)
    %dma_start3A_175 = arith.constant 10240 : i32
    %dma_start3A_176 = tpu.memref_slice %arg5[%dma_start3A_175] : memref<13312xi32, #tpu.memory_space<vmem>> -> memref<1024xi32, #tpu.memory_space<vmem>>
    %dma_start3A_177 = arith.constant 0 : i32
    %dma_start3A_178 = arith.constant 0 : i32
    %dma_start3A_179 = tpu.memref_slice %arg3[%dma_start3A_177, %dma_start3A_178] : memref<1048576x32xf32, #tpu.memory_space<hbm>> -> memref<1048576x32xf32, #tpu.memory_space<hbm>>
    tpu.enqueue_indirect_dma source(%dma_start3A_179 : memref<1048576x32xf32, #tpu.memory_space<hbm>>) target(%arg7 : memref<1024x32xf32, #tpu.memory_space<vmem>>) offsets(%dma_start3A_176 : memref<1024xi32, #tpu.memory_space<vmem>>) semaphore(%arg11 : memref<!tpu.dma_semaphore, #tpu.memory_space<semaphore_mem>>)
    %dma_wait3A_180 = arith.constant 8192 : i32
    %dma_wait3A_181 = tpu.memref_slice %arg5[%dma_wait3A_180] : memref<13312xi32, #tpu.memory_space<vmem>> -> memref<1024xi32, #tpu.memory_space<vmem>>
    %dma_wait3A_182 = arith.constant 0 : i32
    %dma_wait3A_183 = arith.constant 0 : i32
    %dma_wait3A_184 = tpu.memref_slice %arg3[%dma_wait3A_182, %dma_wait3A_183] : memref<1048576x32xf32, #tpu.memory_space<hbm>> -> memref<1048576x32xf32, #tpu.memory_space<hbm>>
    tpu.wait_indirect_dma semaphore(%arg12 : memref<!tpu.dma_semaphore, #tpu.memory_space<semaphore_mem>>) src(%dma_wait3A_184 : memref<1048576x32xf32, #tpu.memory_space<hbm>>) dst(%arg8 : memref<1024x32xf32, #tpu.memory_space<vmem>>)
    %add3A_185 = arith.constant 8192 : i32
    %add3A_186 = arith.addi %mul3A_2, %add3A_185 : i32
    %dma_start3A_187 = arith.constant 0 : i32
    %dma_start3A_188 = tpu.memref_slice %arg4[%add3A_186, %dma_start3A_187] : memref<425984x32xf32, #tpu.memory_space<hbm>> -> memref<1024x32xf32, #tpu.memory_space<hbm>>
    %dma_start3A_189 = arith.constant 0 : i32
    %dma_start3A_190 = tpu.memref_slice %arg4[%add3A_186, %dma_start3A_189] : memref<425984x32xf32, #tpu.memory_space<hbm>> -> memref<1024x32xf32, #tpu.memory_space<hbm>>
    tpu.enqueue_dma source(%arg8 : memref<1024x32xf32, #tpu.memory_space<vmem>>) target(%dma_start3A_190 : memref<1024x32xf32, #tpu.memory_space<hbm>>) target_semaphore(%arg15 : memref<!tpu.dma_semaphore, #tpu.memory_space<semaphore_mem>>)
    %dma_wait3A_191 = arith.constant 0 : i32
    %dma_wait3A_192 = tpu.memref_slice %arg4[%add3A_186, %dma_wait3A_191] : memref<425984x32xf32, #tpu.memory_space<hbm>> -> memref<1024x32xf32, #tpu.memory_space<hbm>>
    %dma_wait3A_193 = arith.constant 0 : i32
    %dma_wait3A_194 = tpu.memref_slice %arg4[%add3A_186, %dma_wait3A_193] : memref<425984x32xf32, #tpu.memory_space<hbm>> -> memref<1024x32xf32, #tpu.memory_space<hbm>>
    tpu.wait_dma2 semaphore(%arg15 : memref<!tpu.dma_semaphore, #tpu.memory_space<semaphore_mem>>) src(%arg8 : memref<1024x32xf32, #tpu.memory_space<vmem>>) dst(%dma_wait3A_194 : memref<1024x32xf32, #tpu.memory_space<hbm>>)
    %dma_start3A_195 = arith.constant 11264 : i32
    %dma_start3A_196 = tpu.memref_slice %arg5[%dma_start3A_195] : memref<13312xi32, #tpu.memory_space<vmem>> -> memref<1024xi32, #tpu.memory_space<vmem>>
    %dma_start3A_197 = arith.constant 0 : i32
    %dma_start3A_198 = arith.constant 0 : i32
    %dma_start3A_199 = tpu.memref_slice %arg3[%dma_start3A_197, %dma_start3A_198] : memref<1048576x32xf32, #tpu.memory_space<hbm>> -> memref<1048576x32xf32, #tpu.memory_space<hbm>>
    tpu.enqueue_indirect_dma source(%dma_start3A_199 : memref<1048576x32xf32, #tpu.memory_space<hbm>>) target(%arg8 : memref<1024x32xf32, #tpu.memory_space<vmem>>) offsets(%dma_start3A_196 : memref<1024xi32, #tpu.memory_space<vmem>>) semaphore(%arg12 : memref<!tpu.dma_semaphore, #tpu.memory_space<semaphore_mem>>)
    %dma_wait3A_200 = arith.constant 9216 : i32
    %dma_wait3A_201 = tpu.memref_slice %arg5[%dma_wait3A_200] : memref<13312xi32, #tpu.memory_space<vmem>> -> memref<1024xi32, #tpu.memory_space<vmem>>
    %dma_wait3A_202 = arith.constant 0 : i32
    %dma_wait3A_203 = arith.constant 0 : i32
    %dma_wait3A_204 = tpu.memref_slice %arg3[%dma_wait3A_202, %dma_wait3A_203] : memref<1048576x32xf32, #tpu.memory_space<hbm>> -> memref<1048576x32xf32, #tpu.memory_space<hbm>>
    tpu.wait_indirect_dma semaphore(%arg10 : memref<!tpu.dma_semaphore, #tpu.memory_space<semaphore_mem>>) src(%dma_wait3A_204 : memref<1048576x32xf32, #tpu.memory_space<hbm>>) dst(%arg6 : memref<1024x32xf32, #tpu.memory_space<vmem>>)
    %add3A_205 = arith.constant 9216 : i32
    %add3A_206 = arith.addi %mul3A_2, %add3A_205 : i32
    %dma_start3A_207 = arith.constant 0 : i32
    %dma_start3A_208 = tpu.memref_slice %arg4[%add3A_206, %dma_start3A_207] : memref<425984x32xf32, #tpu.memory_space<hbm>> -> memref<1024x32xf32, #tpu.memory_space<hbm>>
    %dma_start3A_209 = arith.constant 0 : i32
    %dma_start3A_210 = tpu.memref_slice %arg4[%add3A_206, %dma_start3A_209] : memref<425984x32xf32, #tpu.memory_space<hbm>> -> memref<1024x32xf32, #tpu.memory_space<hbm>>
    tpu.enqueue_dma source(%arg6 : memref<1024x32xf32, #tpu.memory_space<vmem>>) target(%dma_start3A_210 : memref<1024x32xf32, #tpu.memory_space<hbm>>) target_semaphore(%arg13 : memref<!tpu.dma_semaphore, #tpu.memory_space<semaphore_mem>>)
    %dma_wait3A_211 = arith.constant 0 : i32
    %dma_wait3A_212 = tpu.memref_slice %arg4[%add3A_206, %dma_wait3A_211] : memref<425984x32xf32, #tpu.memory_space<hbm>> -> memref<1024x32xf32, #tpu.memory_space<hbm>>
    %dma_wait3A_213 = arith.constant 0 : i32
    %dma_wait3A_214 = tpu.memref_slice %arg4[%add3A_206, %dma_wait3A_213] : memref<425984x32xf32, #tpu.memory_space<hbm>> -> memref<1024x32xf32, #tpu.memory_space<hbm>>
    tpu.wait_dma2 semaphore(%arg13 : memref<!tpu.dma_semaphore, #tpu.memory_space<semaphore_mem>>) src(%arg6 : memref<1024x32xf32, #tpu.memory_space<vmem>>) dst(%dma_wait3A_214 : memref<1024x32xf32, #tpu.memory_space<hbm>>)
    %dma_start3A_215 = arith.constant 12288 : i32
    %dma_start3A_216 = tpu.memref_slice %arg5[%dma_start3A_215] : memref<13312xi32, #tpu.memory_space<vmem>> -> memref<1024xi32, #tpu.memory_space<vmem>>
    %dma_start3A_217 = arith.constant 0 : i32
    %dma_start3A_218 = arith.constant 0 : i32
    %dma_start3A_219 = tpu.memref_slice %arg3[%dma_start3A_217, %dma_start3A_218] : memref<1048576x32xf32, #tpu.memory_space<hbm>> -> memref<1048576x32xf32, #tpu.memory_space<hbm>>
    tpu.enqueue_indirect_dma source(%dma_start3A_219 : memref<1048576x32xf32, #tpu.memory_space<hbm>>) target(%arg6 : memref<1024x32xf32, #tpu.memory_space<vmem>>) offsets(%dma_start3A_216 : memref<1024xi32, #tpu.memory_space<vmem>>) semaphore(%arg10 : memref<!tpu.dma_semaphore, #tpu.memory_space<semaphore_mem>>)
    %dma_wait3A_220 = arith.constant 10240 : i32
    %dma_wait3A_221 = tpu.memref_slice %arg5[%dma_wait3A_220] : memref<13312xi32, #tpu.memory_space<vmem>> -> memref<1024xi32, #tpu.memory_space<vmem>>
    %dma_wait3A_222 = arith.constant 0 : i32
    %dma_wait3A_223 = arith.constant 0 : i32
    %dma_wait3A_224 = tpu.memref_slice %arg3[%dma_wait3A_222, %dma_wait3A_223] : memref<1048576x32xf32, #tpu.memory_space<hbm>> -> memref<1048576x32xf32, #tpu.memory_space<hbm>>
    tpu.wait_indirect_dma semaphore(%arg11 : memref<!tpu.dma_semaphore, #tpu.memory_space<semaphore_mem>>) src(%dma_wait3A_224 : memref<1048576x32xf32, #tpu.memory_space<hbm>>) dst(%arg7 : memref<1024x32xf32, #tpu.memory_space<vmem>>)
    %add3A_225 = arith.constant 10240 : i32
    %add3A_226 = arith.addi %mul3A_2, %add3A_225 : i32
    %dma_start3A_227 = arith.constant 0 : i32
    %dma_start3A_228 = tpu.memref_slice %arg4[%add3A_226, %dma_start3A_227] : memref<425984x32xf32, #tpu.memory_space<hbm>> -> memref<1024x32xf32, #tpu.memory_space<hbm>>
    %dma_start3A_229 = arith.constant 0 : i32
    %dma_start3A_230 = tpu.memref_slice %arg4[%add3A_226, %dma_start3A_229] : memref<425984x32xf32, #tpu.memory_space<hbm>> -> memref<1024x32xf32, #tpu.memory_space<hbm>>
    tpu.enqueue_dma source(%arg7 : memref<1024x32xf32, #tpu.memory_space<vmem>>) target(%dma_start3A_230 : memref<1024x32xf32, #tpu.memory_space<hbm>>) target_semaphore(%arg14 : memref<!tpu.dma_semaphore, #tpu.memory_space<semaphore_mem>>)
    %dma_wait3A_231 = arith.constant 11264 : i32
    %dma_wait3A_232 = tpu.memref_slice %arg5[%dma_wait3A_231] : memref<13312xi32, #tpu.memory_space<vmem>> -> memref<1024xi32, #tpu.memory_space<vmem>>
    %dma_wait3A_233 = arith.constant 0 : i32
    %dma_wait3A_234 = arith.constant 0 : i32
    %dma_wait3A_235 = tpu.memref_slice %arg3[%dma_wait3A_233, %dma_wait3A_234] : memref<1048576x32xf32, #tpu.memory_space<hbm>> -> memref<1048576x32xf32, #tpu.memory_space<hbm>>
    tpu.wait_indirect_dma semaphore(%arg12 : memref<!tpu.dma_semaphore, #tpu.memory_space<semaphore_mem>>) src(%dma_wait3A_235 : memref<1048576x32xf32, #tpu.memory_space<hbm>>) dst(%arg8 : memref<1024x32xf32, #tpu.memory_space<vmem>>)
    %add3A_236 = arith.constant 11264 : i32
    %add3A_237 = arith.addi %mul3A_2, %add3A_236 : i32
    %dma_start3A_238 = arith.constant 0 : i32
    %dma_start3A_239 = tpu.memref_slice %arg4[%add3A_237, %dma_start3A_238] : memref<425984x32xf32, #tpu.memory_space<hbm>> -> memref<1024x32xf32, #tpu.memory_space<hbm>>
    %dma_start3A_240 = arith.constant 0 : i32
    %dma_start3A_241 = tpu.memref_slice %arg4[%add3A_237, %dma_start3A_240] : memref<425984x32xf32, #tpu.memory_space<hbm>> -> memref<1024x32xf32, #tpu.memory_space<hbm>>
    tpu.enqueue_dma source(%arg8 : memref<1024x32xf32, #tpu.memory_space<vmem>>) target(%dma_start3A_241 : memref<1024x32xf32, #tpu.memory_space<hbm>>) target_semaphore(%arg15 : memref<!tpu.dma_semaphore, #tpu.memory_space<semaphore_mem>>)
    %dma_wait3A_242 = arith.constant 12288 : i32
    %dma_wait3A_243 = tpu.memref_slice %arg5[%dma_wait3A_242] : memref<13312xi32, #tpu.memory_space<vmem>> -> memref<1024xi32, #tpu.memory_space<vmem>>
    %dma_wait3A_244 = arith.constant 0 : i32
    %dma_wait3A_245 = arith.constant 0 : i32
    %dma_wait3A_246 = tpu.memref_slice %arg3[%dma_wait3A_244, %dma_wait3A_245] : memref<1048576x32xf32, #tpu.memory_space<hbm>> -> memref<1048576x32xf32, #tpu.memory_space<hbm>>
    tpu.wait_indirect_dma semaphore(%arg10 : memref<!tpu.dma_semaphore, #tpu.memory_space<semaphore_mem>>) src(%dma_wait3A_246 : memref<1048576x32xf32, #tpu.memory_space<hbm>>) dst(%arg6 : memref<1024x32xf32, #tpu.memory_space<vmem>>)
    %add3A_247 = arith.constant 12288 : i32
    %add3A_248 = arith.addi %mul3A_2, %add3A_247 : i32
    %dma_start3A_249 = arith.constant 0 : i32
    %dma_start3A_250 = tpu.memref_slice %arg4[%add3A_248, %dma_start3A_249] : memref<425984x32xf32, #tpu.memory_space<hbm>> -> memref<1024x32xf32, #tpu.memory_space<hbm>>
    %dma_start3A_251 = arith.constant 0 : i32
    %dma_start3A_252 = tpu.memref_slice %arg4[%add3A_248, %dma_start3A_251] : memref<425984x32xf32, #tpu.memory_space<hbm>> -> memref<1024x32xf32, #tpu.memory_space<hbm>>
    tpu.enqueue_dma source(%arg6 : memref<1024x32xf32, #tpu.memory_space<vmem>>) target(%dma_start3A_252 : memref<1024x32xf32, #tpu.memory_space<hbm>>) target_semaphore(%arg13 : memref<!tpu.dma_semaphore, #tpu.memory_space<semaphore_mem>>)
    %dma_wait3A_253 = arith.constant 0 : i32
    %dma_wait3A_254 = tpu.memref_slice %arg4[%add3A_226, %dma_wait3A_253] : memref<425984x32xf32, #tpu.memory_space<hbm>> -> memref<1024x32xf32, #tpu.memory_space<hbm>>
    %dma_wait3A_255 = arith.constant 0 : i32
    %dma_wait3A_256 = tpu.memref_slice %arg4[%add3A_226, %dma_wait3A_255] : memref<425984x32xf32, #tpu.memory_space<hbm>> -> memref<1024x32xf32, #tpu.memory_space<hbm>>
    tpu.wait_dma2 semaphore(%arg14 : memref<!tpu.dma_semaphore, #tpu.memory_space<semaphore_mem>>) src(%arg7 : memref<1024x32xf32, #tpu.memory_space<vmem>>) dst(%dma_wait3A_256 : memref<1024x32xf32, #tpu.memory_space<hbm>>)
    %dma_wait3A_257 = arith.constant 0 : i32
    %dma_wait3A_258 = tpu.memref_slice %arg4[%add3A_237, %dma_wait3A_257] : memref<425984x32xf32, #tpu.memory_space<hbm>> -> memref<1024x32xf32, #tpu.memory_space<hbm>>
    %dma_wait3A_259 = arith.constant 0 : i32
    %dma_wait3A_260 = tpu.memref_slice %arg4[%add3A_237, %dma_wait3A_259] : memref<425984x32xf32, #tpu.memory_space<hbm>> -> memref<1024x32xf32, #tpu.memory_space<hbm>>
    tpu.wait_dma2 semaphore(%arg15 : memref<!tpu.dma_semaphore, #tpu.memory_space<semaphore_mem>>) src(%arg8 : memref<1024x32xf32, #tpu.memory_space<vmem>>) dst(%dma_wait3A_260 : memref<1024x32xf32, #tpu.memory_space<hbm>>)
    %dma_wait3A_261 = arith.constant 0 : i32
    %dma_wait3A_262 = tpu.memref_slice %arg4[%add3A_248, %dma_wait3A_261] : memref<425984x32xf32, #tpu.memory_space<hbm>> -> memref<1024x32xf32, #tpu.memory_space<hbm>>
    %dma_wait3A_263 = arith.constant 0 : i32
    %dma_wait3A_264 = tpu.memref_slice %arg4[%add3A_248, %dma_wait3A_263] : memref<425984x32xf32, #tpu.memory_space<hbm>> -> memref<1024x32xf32, #tpu.memory_space<hbm>>
    tpu.wait_dma2 semaphore(%arg13 : memref<!tpu.dma_semaphore, #tpu.memory_space<semaphore_mem>>) src(%arg6 : memref<1024x32xf32, #tpu.memory_space<vmem>>) dst(%dma_wait3A_264 : memref<1024x32xf32, #tpu.memory_space<hbm>>)
    return
  }
}

module attributes {stable_mosaic.version = 14 : i64} {
  func.func @_detranspose_body(%arg0: i32, %arg1: memref<32x65536xf32, #tpu.memory_space<vmem>>, %arg2: memref<2097152xf32, #tpu.memory_space<vmem>>) attributes {dimension_semantics = [#tpu.dimension_semantics<arbitrary>], iteration_bounds = array<i64: 16>, scalar_prefetch = 0 : i64, scratch_operands = 0 : i64, tpu.core_type = #tpu.core_type<tc>, window_params = [{transform_indices = @transform_0, window_bounds = array<i64: 32, 65536>}, {transform_indices = @transform_1, window_bounds = array<i64: 2097152>}]} {
    %get3A = arith.constant 0 : index
    %get3A_0 = arith.constant 0 : index
    %get3A_1 = vector.load %arg1[%get3A, %get3A_0] : memref<32x65536xf32, #tpu.memory_space<vmem>>, vector<32x65536xf32>
    %slice3A = vector.extract_strided_slice %get3A_1 {offsets = [0, 0], sizes = [32, 16384], strides = [1, 1]} : vector<32x65536xf32> to vector<32x16384xf32>
    %slice3A_2 = vector.extract_strided_slice %get3A_1 {offsets = [0, 16384], sizes = [32, 16384], strides = [1, 1]} : vector<32x65536xf32> to vector<32x16384xf32>
    %slice3A_3 = vector.extract_strided_slice %get3A_1 {offsets = [0, 32768], sizes = [32, 16384], strides = [1, 1]} : vector<32x65536xf32> to vector<32x16384xf32>
    %slice3A_4 = vector.extract_strided_slice %get3A_1 {offsets = [0, 49152], sizes = [32, 16384], strides = [1, 1]} : vector<32x65536xf32> to vector<32x16384xf32>
    %concatenate3A = tpu.concatenate %slice3A, %slice3A_2, %slice3A_3, %slice3A_4 in 0 : vector<32x16384xf32>, vector<32x16384xf32>, vector<32x16384xf32>, vector<32x16384xf32> -> vector<128x16384xf32>
    %transpose3A = tpu.transpose %concatenate3A, [1, 0] : vector<128x16384xf32> -> vector<16384x128xf32>
    %reshape3A = vector.shape_cast %transpose3A : vector<16384x128xf32> to vector<2097152xf32>
    %swap3A = arith.constant 0 : index
    %swap3A_5 = vector.load %arg2[%swap3A] : memref<2097152xf32, #tpu.memory_space<vmem>>, vector<2097152xf32>
    tpu.vector_store %arg2[%swap3A], %reshape3A {strides = array<i32>} : memref<2097152xf32, #tpu.memory_space<vmem>>, vector<2097152xf32>,
    return
  }
  func.func @transform_0(%arg0: i32) -> (i32, i32) {
    %c0_i32 = arith.constant 0 : i32
    %c0_i32_0 = arith.constant 0 : i32
    return %c0_i32, %arg0 : i32, i32
  }
  func.func @transform_1(%arg0: i32) -> i32 {
    %c0_i32 = arith.constant 0 : i32
    return %arg0 : i32
  }
}

module attributes {stable_mosaic.version = 14 : i64} {
  func.func @_out_transpose_body(%arg0: i32, %arg1: memref<524288xf32, #tpu.memory_space<vmem>>, %arg2: memref<1x32x16384xf32, #tpu.memory_space<vmem>>) attributes {dimension_semantics = [#tpu.dimension_semantics<arbitrary>], iteration_bounds = array<i64: 26>, scalar_prefetch = 0 : i64, scratch_operands = 0 : i64, tpu.core_type = #tpu.core_type<tc>, window_params = [{transform_indices = @transform_0, window_bounds = array<i64: 524288>}, {transform_indices = @transform_1, window_bounds = array<i64: 1, 32, 16384>}]} {
    %get3A = arith.constant 0 : index
    %get3A_0 = vector.load %arg1[%get3A] : memref<524288xf32, #tpu.memory_space<vmem>>, vector<524288xf32>
    %reshape3A = vector.shape_cast %get3A_0 : vector<524288xf32> to vector<4096x128xf32>
    %transpose3A = tpu.transpose %reshape3A, [1, 0] : vector<4096x128xf32> -> vector<128x4096xf32>
    %reshape3A_1 = vector.shape_cast %transpose3A : vector<128x4096xf32> to vector<4x32x4096xf32>
    %slice3A = vector.extract_strided_slice %reshape3A_1 {offsets = [0, 0, 0], sizes = [1, 32, 4096], strides = [1, 1, 1]} : vector<4x32x4096xf32> to vector<1x32x4096xf32>
    %squeeze3A = vector.shape_cast %slice3A : vector<1x32x4096xf32> to vector<32x4096xf32>
    %slice3A_2 = vector.extract_strided_slice %reshape3A_1 {offsets = [1, 0, 0], sizes = [1, 32, 4096], strides = [1, 1, 1]} : vector<4x32x4096xf32> to vector<1x32x4096xf32>
    %squeeze3A_3 = vector.shape_cast %slice3A_2 : vector<1x32x4096xf32> to vector<32x4096xf32>
    %slice3A_4 = vector.extract_strided_slice %reshape3A_1 {offsets = [2, 0, 0], sizes = [1, 32, 4096], strides = [1, 1, 1]} : vector<4x32x4096xf32> to vector<1x32x4096xf32>
    %squeeze3A_5 = vector.shape_cast %slice3A_4 : vector<1x32x4096xf32> to vector<32x4096xf32>
    %slice3A_6 = vector.extract_strided_slice %reshape3A_1 {offsets = [3, 0, 0], sizes = [1, 32, 4096], strides = [1, 1, 1]} : vector<4x32x4096xf32> to vector<1x32x4096xf32>
    %squeeze3A_7 = vector.shape_cast %slice3A_6 : vector<1x32x4096xf32> to vector<32x4096xf32>
    %concatenate3A = tpu.concatenate %squeeze3A, %squeeze3A_3, %squeeze3A_5, %squeeze3A_7 in 1 : vector<32x4096xf32>, vector<32x4096xf32>, vector<32x4096xf32>, vector<32x4096xf32> -> vector<32x16384xf32>
    %reshape3A_8 = vector.shape_cast %concatenate3A : vector<32x16384xf32> to vector<1x32x16384xf32>
    %swap3A = arith.constant 0 : index
    %swap3A_9 = arith.constant 0 : index
    %swap3A_10 = arith.constant 0 : index
    %swap3A_11 = vector.load %arg2[%swap3A, %swap3A_9, %swap3A_10] : memref<1x32x16384xf32, #tpu.memory_space<vmem>>, vector<1x32x16384xf32>
    tpu.vector_store %arg2[%swap3A, %swap3A_9, %swap3A_10], %reshape3A_8 {strides = array<i32>} : memref<1x32x16384xf32, #tpu.memory_space<vmem>>, vector<1x32x16384xf32>,
    return
  }
  func.func @transform_0(%arg0: i32) -> i32 {
    %c0_i32 = arith.constant 0 : i32
    return %arg0 : i32
  }
  func.func @transform_1(%arg0: i32) -> (i32, i32, i32) {
    %c0_i32 = arith.constant 0 : i32
    %c0_i32_0 = arith.constant 0 : i32
    %c0_i32_1 = arith.constant 0 : i32
    return %arg0, %c0_i32, %c0_i32_0 : i32, i32, i32
  }
}

</mosaic_0001>

<sc_bundles>
// kernel: kernel.5.cloned.1.call-start
scs
__scs_entry_jumppad:
0x0: {  	(pc) =	sbr.rel $0x88, $3  }
0x1: {  	(tag) =	ssettag $0x0;
	lr =	simm.s32 $0x1  }
0x2: {  	[smem:$0x3F9F] =	sst lr;
	_ =	strace $0xD0000000  }
0x3: {  	_ = 	snop  }
0x4: {  	_ = 	snop  }
0x5: {  	_ = 	snop  }
0x6: {  	_ = 	snop  }
0x7: {  	_ = 	snop  }
__scs_overlays_trampoline_lowered:
0x8: {  	[smem:$0x3FAE] =	sst s0  }
0x9: {  	[smem:$0x3FAF] =	sst s1  }
0xa: {  	[smem:$0x3FB0] =	sst s2  }
0xb: {  	[smem:$0x3FB1] =	sst s3  }
0xc: {  	[smem:$0x3FB2] =	sst s4  }
0xd: {  	[smem:$0x3FB3] =	sst s5  }
0xe: {  	[smem:$0x3FB4] =	sst s6  }
0xf: {  	[smem:$0x3FB5] =	sst s7  }
0x10: {  	[smem:$0x3FB6] =	sst s8  }
0x11: {  	[smem:$0x3FB7] =	sst s9;
	s0 =	simm.s32 @!p0 $0x0  }
0x12: {  	s1 =	sld [smem:$0x3F9D];
	s0 =	simm.s32 @p0 $0x1  }
0x13: {  	[smem:$0x3FB8] =	sst s0;
	s0 =	simm.s32 @!p1 $0x0  }
0x14: {  	s2 =	sld [smem:$0x3F9C];
	s0 =	simm.s32 @p1 $0x1  }
0x15: {  	[smem:$0x3FB9] =	sst s0;
	s0 =	simm.s32 @!p2 $0x0  }
0x16: {  	s3 =	sld [smem:$0x3FDB];
	s0 =	simm.s32 @p2 $0x1  }
0x17: {  	s4 =	simm.s32 $0x1BF5;
	[smem:$0x3FBB] =	sst s0  }
0x18: {  	s0 =	sld [smem:$0x3F9E];
	_ =	swait.ge [sflag:s4], $0x0  }
0x19: {  	s7 =	sld [smem:$0x3F9F]  }
0x1a: {  	s8 =	sadd.s32 $0xFFFFE003, lr  }
0x1b: {  	s9 =	sadd.s32 $0xFFFFFEF7, lr;
	s5 =	simm.s32 $0xFFFFFFFF;
	p2 =	slt.u32 s8, $0xFFFFF086  }
0x1c: {  	p1 =	slt.u32 s9, $0xF7A;
	s5 =	simm.s32 @!p2 $0x0  }
0x1d: {  	s5 =	simm.s32 @p1 $0x1;
	p0 =	seq.s32 s7, s2  }
0x1e: {  	s7 =	smul.u32 @!p0 $0xF7A, s2;
	p2 =	seq.s32 @!p0 s5, $0x0  }
0x1f: {  	s9 =	smul.u32 $0xF7A, s1;
	s8 =	simm.s32 @!p0 $0x1BF5;
	p2 =	por !p2, p0  }
0x20: {  	[sflag:s8] =	ssyncset.s32 @!p0 $0xFFFFF086;
	s6 =	sadd.s32 @!p0 s3, s7;
	s7 =	simm.s32 @!p0 $0x108  }
0x21: {  	s3 =	sadd.s32 s3, s9;
	s6 =	sadd.s32 @!p0 $0x88, s6;
	s7 =	simm.s32 @p2 $0x1082  }
0x22: {  	[simem:s7], [sflag:s8] =	dma.local @!p0 [hbm:s6], $0xF7A  }
0x23: {  	s9 =	sor.u32 $0xD0000000, s2;
	s6 =	simm.s32 $0x108;
	_ =	swait.ge @!p0 [sflag:s8], $0x0  }
0x24: {  	s3 =	sadd.s32 $0x88, s3;
	s6 =	simm.s32 @!p1 $0x1082;
	[sflag:s4] =	ssyncset.s32 $0xFFFFF086  }
0x25: {  	[simem:s6], [sflag:s4] =	dma.local [hbm:s3], $0xF7A  }
0x26: {  	[smem:$0x3F9F] =	sst s1;
	(tag) =	ssettag s2;
	_ =	strace s9  }
0x27: {  	s1 =	sld [smem:$0x3FAF]  }
0x28: {  	s2 =	sld [smem:$0x3FB0]  }
0x29: {  	s4 =	sld [smem:$0x3FB2]  }
0x2a: {  	p0 =	seq.s32 s5, $0x0;
	s5 =	sld [smem:$0x3FB3]  }
0x2b: {  	s6 =	sld [smem:$0x3FB4]  }
0x2c: {  	s7 =	sld [smem:$0x3FB5]  }
0x2d: {  	s3 =	simm.s32 $0x108;
	s8 =	sld [smem:$0x3FB6]  }
0x2e: {  	s3 =	simm.s32 @!p0 $0x1082;
	s9 =	sld [smem:$0x3FB7]  }
0x2f: {  	lr =	sadd.s32 s0, s3;
	s0 =	sld [smem:$0x3FAE]  }
0x30: {  	s3 =	sld [smem:$0x3FB1]  }
0x31: {  	[smem:$0x3FBA] =	sst s10  }
0x32: {  	s10 =	sld [smem:$0x3FB8];
	_ =	sdelay $0x3  }
0x33: {  	p0 =	seq.s32 s10, $0x1;
	s10 =	sld [smem:$0x3FBA];
	_ =	sdelay $0x3  }
0x34: {  	[smem:$0x3FBA] =	sst s10  }
0x35: {  	s10 =	sld [smem:$0x3FB9];
	_ =	sdelay $0x3  }
0x36: {  	p1 =	seq.s32 s10, $0x1;
	s10 =	sld [smem:$0x3FBA];
	_ =	sdelay $0x3  }
0x37: {  	[smem:$0x3FBA] =	sst s10  }
0x38: {  	s10 =	sld [smem:$0x3FBB]  }
0x39: {  	_ = 	snop;
	(pc) =	sbr.ind lr, $3  }
0x3a: {  	_ = 	snop  }
0x3b: {  	_ = 	snop  }
0x3c: {  	p2 =	seq.s32 s10, $0x1;
	s10 =	sld [smem:$0x3FBA]  }
0x3d: {  	_ =	shalt  }
0x3e: {  	_ =	shalt  }
0x3f: {  	_ =	shalt  }
0x40: {  	_ =	shalt  }
0x41: {  	_ =	shalt  }
0x42: {  	_ =	shalt  }
0x43: {  	_ =	shalt  }
0x44: {  	_ =	shalt  }
0x45: {  	_ =	shalt  }
0x46: {  	_ =	shalt  }
0x47: {  	_ =	shalt  }
0x48: {  	_ =	shalt  }
0x49: {  	_ =	shalt  }
0x4a: {  	_ =	shalt  }
0x4b: {  	_ =	shalt  }
0x4c: {  	_ =	shalt  }
0x4d: {  	_ =	shalt  }
0x4e: {  	_ =	shalt  }
0x4f: {  	_ =	shalt  }
0x50: {  	_ =	shalt  }
0x51: {  	_ =	shalt  }
0x52: {  	_ =	shalt  }
0x53: {  	_ =	shalt  }
0x54: {  	_ =	shalt  }
0x55: {  	_ =	shalt  }
0x56: {  	_ =	shalt  }
0x57: {  	_ =	shalt  }
0x58: {  	_ =	shalt  }
0x59: {  	_ =	shalt  }
0x5a: {  	_ =	shalt  }
0x5b: {  	_ =	shalt  }
0x5c: {  	_ =	shalt  }
0x5d: {  	_ =	shalt  }
0x5e: {  	_ =	shalt  }
0x5f: {  	_ =	shalt  }
0x60: {  	_ =	shalt  }
0x61: {  	_ =	shalt  }
0x62: {  	_ =	shalt  }
0x63: {  	_ =	shalt  }
0x64: {  	_ =	shalt  }
0x65: {  	_ =	shalt  }
0x66: {  	_ =	shalt  }
0x67: {  	_ =	shalt  }
0x68: {  	_ =	shalt  }
0x69: {  	_ =	shalt  }
0x6a: {  	_ =	shalt  }
0x6b: {  	_ =	shalt  }
0x6c: {  	_ =	shalt  }
0x6d: {  	_ =	shalt  }
0x6e: {  	_ =	shalt  }
0x6f: {  	_ =	shalt  }
0x70: {  	_ =	shalt  }
0x71: {  	_ =	shalt  }
0x72: {  	_ =	shalt  }
0x73: {  	_ =	shalt  }
0x74: {  	_ =	shalt  }
0x75: {  	_ =	shalt  }
0x76: {  	_ =	shalt  }
0x77: {  	_ =	shalt  }
0x78: {  	_ =	shalt  }
0x79: {  	_ =	shalt  }
0x7a: {  	_ =	shalt  }
0x7b: {  	_ =	shalt  }
0x7c: {  	_ =	shalt  }
0x7d: {  	_ =	shalt  }
0x7e: {  	_ =	shalt  }
0x7f: {  	_ =	shalt  }
0x80: {  	_ =	shalt  }
0x81: {  	_ =	shalt  }
0x82: {  	_ =	shalt  }
0x83: {  	_ =	shalt  }
0x84: {  	_ =	shalt  }
0x85: {  	_ =	shalt  }
0x86: {  	_ =	shalt  }
0x87: {  	_ =	shalt  }
.Lfunc_end0:
.L_simem_size_0:
called_computation_lowered:
.L_overlay_start_0:
0x88: {  	s2 =	sld [smem:$0x3FD9]  }
0x89: {  	s3 =	sld [smem:$0x3FFE];
	_ =	sdelay $0x1  }
0x8a: {  	s1 =	srdreg.scid  }
0x8b: {  	s0 =	sand.u32 $0x1, s1  }
0x8c: {  	s16 =	sshll.u32 s0, $0xA;
	s2 =	sadd.s32 s3, s2  }
0x8d: {  	s2 =	sadd.s32 s2, s16  }
0x8e: {  	[smem:$0x3FC6] =	sst s2  }
0x8f: {  	_ = 	snop  }
0x90: {  	(tm) =	ssettm $0x1  }
0x91: {  	s17 =	sld [smem:$0x3FFB];
	_ =	sdelay $0x3  }
0x92: {  	_ =	strace s17  }
0x93: {  	s2 =	sld [smem:$0x3FFC];
	_ =	sdelay $0x3  }
0x94: {  	_ =	strace s2  }
0x95: {  	s2 =	sld [smem:$0x3FFD];
	_ =	sdelay $0x3  }
0x96: {  	_ =	strace s2  }
0x97: {  	_ =	strace $0x8FFFFFFF  }
0x98: {  	s18 =	sld [smem:$0x3FDB];
	_ =	sdelay $0x1  }
0x99: {  	s19 =	simm.s32 $_scs_section_size  }
0x9a: {  	s4 =	simm.s32 $_size__tile_overlayer_lowered;
	s5 =	simm.s32 $_tile_overlayer_lowered  }
0x9b: {  	s22 =	simm.s32 $0x1BFF;
	s21 =	sshll.u32 s5, $0x1;
	s2 =	sadd.s32 s19, s18  }
0x9c: {  	s6 =	simm.s32 $0x0;
	s20 =	sshll.u32 s4, $0x1;
	s4 =	sadd.s32 s21, s2  }
0x9d: {  	[timem:s6], [sflag:s22] =	dma.local [hbm:s4], s20  }
0x9e: {  	_ =	swait.ge [sflag:s22], s20  }
0x9f: {  	s3 =	ssub.s32 $0x0, s20;
	[sflag:s22] =	ssyncset.done $0x0  }
0xa0: {  	[sflag:s22] =	ssyncadd.s32 s3;
	_ =	sdelay $0x1  }
0xa1: {  	s23 =	simm.s32 $0x1B8B  }
0xa2: {  	_ =	swait.ge [sflag:s23], $0x1  }
0xa3: {  	[sflag:s23] =	ssyncset.done $0x0  }
0xa4: {  	s25 =	simm.s32 $0x1B8E;
	s24 =	sld [smem:$0x3FFE];
	[sflag:s23] =	ssyncadd.s32 $0xFFFFFFFF  }
0xa5: {  	s26 =	simm.s32 $execute0_lowered;
	[smem:$0x3FD2] =	sst s25  }
0xa6: {  	s4 =	sshll.u32 s26, $0x1;
	_ =	strace $0x80000046;
	[dreg:$0x1] =	wrdreg $0xFFFFFFFF  }
0xa7: {  	s28 =	simm.s32 $_size_execute0_lowered;
	s2 =	sadd.s32 s2, s4;
	[dreg:$0x0] =	wrdreg $0x0  }
0xa8: {  	s4 =	sshll.u32 s28, $0x1;
	[dreg:$0x2] =	wrdreg s2  }
0xa9: {  	[dreg:$0x3] =	wrdreg s4  }
0xaa: {  	[dreg:$0x4] =	wrdreg $0xC0  }
0xab: {  	_ =	task [dreg:s6], $0x5FFFF  }
0xac: {  	[dreg:$0x1] =	wrdreg $0xFFFFFFFF  }
0xad: {  	[dreg:$0x0] =	wrdreg $0x60  }
0xae: {  	[dreg:$0x2] =	wrdreg s24  }
0xaf: {  	[dreg:$0x3] =	wrdreg $0x9  }
0xb0: {  	_ =	task.clear_ibuf [dreg:s6], $0x4FFFF;
	_ =	strace $0x90000046  }
0xb1: {  	s29 =	simm.s32 $0x9;
	_ =	strace $0x80000048  }
0xb2: {  	_ =	swait.ge [sflag:s29], $0x1  }
0xb3: {  	[sflag:s29] =	ssyncadd.s32 $0xFFFFFFFF  }
0xb4: {  	_ =	strace $0x90000048  }
0xb5: {  	_ =	sfence  }
0xb6: {  	s30 =	sld [smem:$0x0];
	_ =	sdelay $0x2  }
0xb7: {  	s31 =	sshll.u32 s1, $0xD;
	s1 =	sshrl.u32 s1, $0x2  }
0xb8: {  	s3 =	sand.u32 $0x4000, s31;
	s1 =	sadd.s32 s1, s30  }
0xb9: {  	s0 =	sor.u32 s3, s0;
	s1 =	sshll.u32 s1, $0x11  }
0xba: {  	s0 =	sor.u32 s1, s0  }
0xbb: {  	s0 =	sadd.s32 $0x8F2B, s0  }
0xbc: {  	[sflag:s0] =	ssyncadd.remote.s32 $0x1  }
0xbd: {  	_ =	sfence.sel $0xFFFF  }
0xbe: {  	[dreg:$0x0] =	wrdreg $0xFFFFFFFF;
	(pc) =	sbr.abs _section_cstart, $3  }
0xbf: {  	[dreg:$0x1] =	wrdreg $0xFFFFFFFF  }
0xc0: {  	_ =	task.clear_ibuf [dreg:s6], $0x2FFFF;
	_ =	strace $0x9FFFFFFF  }
0xc1: {  	(tm) =	ssettm $0x7FFFFFFF  }
tec
execute0_lowered:
.L_overlay_start_1:
0x0: {  	(tag) =	ssettag $0x1  }
0x1: {  	s1 =	srdreg.scid;
	s0 =	stileid.u32  }
0x2: {  	s1 =	sand.u32 $0x1, s1;
	s2 =	sshll.u32 s0, $0x1  }
0x3: {  	s3 =	sor.u32 s1, s2  }
0x4: {  	s5 =	smul.u32 $0x680, s3  }
0x5: {  	s4 =	rddreg [dreg:$0x0];
	s2 =	simm.s32 $0x0;
	s6 =	smul.u32 $0x68000, s3  }
0x6: {  	[smem:$0x7FF] =	sst s2;
	s3 =	smul.u32 $0xD000, s3  }
0x7: {  	s7 =	sadd.s32 $0x40D400, s4;
	_ =	strace $0x80000047  }
0x8: {  	s5 =	sadd.s32 s5, s4;
	s6 =	sshrl.u32 s6, $0x3;
	s3 =	sadd.s32 s7, s3  }
0x9: {  	s5 =	sadd.s32 $0x400, s5;
	s31 =	sadd.s32 s7, s6;
	[dreg:$0x3] =	wrdreg s3  }
0xa: {  	[dreg:$0x2] =	wrdreg s5;
	s20 =	sadd.s32 $0x1000, s31  }
0xb: {  	s21 =	sadd.s32 $0x2000, s31;
	[dreg:$0x4] =	wrdreg s20  }
0xc: {  	s22 =	sadd.s32 $0x3000, s31;
	[dreg:$0x5] =	wrdreg s21  }
0xd: {  	s23 =	sadd.s32 $0x4000, s31;
	[dreg:$0x6] =	wrdreg s22  }
0xe: {  	s24 =	sadd.s32 $0x5000, s31;
	[dreg:$0x7] =	wrdreg s23  }
0xf: {  	[dreg:$0x8] =	wrdreg s24  }
0x10: {  	s25 =	sadd.s32 $0x6000, s31;
	s5 =	rddreg [dreg:$0x2]  }
0x11: {  	s26 =	sadd.s32 $0x7000, s31;
	[dreg:$0x9] =	wrdreg s25  }
0x12: {  	s3 =	simm.s32 $0x1;
	[dreg:$0xa] =	wrdreg s26  }
0x13: {  	[tilespmem:s2], [sflag:$0x1] =	stream.linear.gather [hbm4b:s5+s2], $0x3400, $0x38;
	[tilespmem:$0x1B400] =	vst v63  }
0x14: {  	_ =	swait.ge [sflag:s3], $0x3400  }
0x15: {  	s4 =	sadd.s32 $0xD400, s4;
	[sflag:s3] =	ssyncset.done $0x0  }
0x16: {  	s6 =	simm.s32 $0x3400;
	s5 =	simm.s32 $0x400;
	[sflag:s3] =	ssyncadd.s32 $0xFFFFCC00  }
0x17: {  	[tilespmem:s6], [sflag:$0x2] =	stream.indirect.gather [hbm4b:s4+s5], $0x20, s2, s5, $0xb8;
	[tilespmem:$0x1B400] =	vst v63  }
0x18: {  	s7 =	simm.s32 $0xB400  }
0x19: {  	[tilespmem:s7], [sflag:$0x3] =	stream.indirect.gather [hbm4b:s4+s5], $0x20, s5, s5, $0xb8;
	[tilespmem:$0x1B400] =	vst v63  }
0x1a: {  	s8 =	simm.s32 $0x800;
	s9 =	simm.s32 $0x13400;
	s10 =	simm.s32 $0x2  }
0x1b: {  	[tilespmem:s9], [sflag:$0x4] =	stream.indirect.gather [hbm4b:s4+s5], $0x20, s8, s5, $0xb8;
	[tilespmem:$0x1B400] =	vst v63  }
0x1c: {  	_ =	swait.ge [sflag:s10], $0x8000  }
0x1d: {  	[sflag:s10] =	ssyncset.done $0x0  }
0x1e: {  	s11 =	simm.s32 $0x5;
	s12 =	rddreg [dreg:$0x3];
	[sflag:s10] =	ssyncadd.s32 $0xFFFF8000  }
0x1f: {  	[hbm4b:s12+s2] =	stream.linear.scatter [tilespmem:s6], [sflag:$0x5], $0x8000, $0x38;
	[tilespmem:$0x1B400] =	vst v63  }
0x20: {  	_ =	swait.ge [sflag:s11], $0x8000  }
0x21: {  	[sflag:s11] =	ssyncset.done $0x0  }
0x22: {  	s13 =	simm.s32 $0x3;
	s12 =	simm.s32 $0xC00;
	[sflag:s11] =	ssyncadd.s32 $0xFFFF8000  }
0x23: {  	[tilespmem:s6], [sflag:$0x2] =	stream.indirect.gather [hbm4b:s4+s5], $0x20, s12, s5, $0xb8;
	[tilespmem:$0x1B400] =	vst v63  }
0x24: {  	_ =	swait.ge [sflag:s13], $0x8000  }
0x25: {  	[sflag:s13] =	ssyncset.done $0x0  }
0x26: {  	s14 =	simm.s32 $0x6;
	s15 =	rddreg [dreg:$0x4];
	[sflag:s13] =	ssyncadd.s32 $0xFFFF8000  }
0x27: {  	[hbm4b:s15+s2] =	stream.linear.scatter [tilespmem:s7], [sflag:$0x6], $0x8000, $0x38;
	[tilespmem:$0x1B400] =	vst v63  }
0x28: {  	_ =	swait.ge [sflag:s14], $0x8000  }
0x29: {  	[sflag:s14] =	ssyncset.done $0x0  }
0x2a: {  	s16 =	simm.s32 $0x4;
	s15 =	simm.s32 $0x1000;
	[sflag:s14] =	ssyncadd.s32 $0xFFFF8000  }
0x2b: {  	[tilespmem:s7], [sflag:$0x3] =	stream.indirect.gather [hbm4b:s4+s5], $0x20, s15, s5, $0xb8;
	[tilespmem:$0x1B400] =	vst v63  }
0x2c: {  	_ =	swait.ge [sflag:s16], $0x8000  }
0x2d: {  	[sflag:s16] =	ssyncset.done $0x0  }
0x2e: {  	s17 =	simm.s32 $0x7;
	s18 =	rddreg [dreg:$0x5];
	[sflag:s16] =	ssyncadd.s32 $0xFFFF8000  }
0x2f: {  	[hbm4b:s18+s2] =	stream.linear.scatter [tilespmem:s9], [sflag:$0x7], $0x8000, $0x38;
	[tilespmem:$0x1B400] =	vst v63  }
0x30: {  	_ =	swait.ge [sflag:s17], $0x8000  }
0x31: {  	[sflag:s17] =	ssyncset.done $0x0  }
0x32: {  	s18 =	simm.s32 $0x1400;
	[sflag:s17] =	ssyncadd.s32 $0xFFFF8000  }
0x33: {  	[tilespmem:s9], [sflag:$0x4] =	stream.indirect.gather [hbm4b:s4+s5], $0x20, s18, s5, $0xb8;
	[tilespmem:$0x1B400] =	vst v63  }
0x34: {  	_ =	swait.ge [sflag:s10], $0x8000  }
0x35: {  	[sflag:s10] =	ssyncset.done $0x0  }
0x36: {  	s19 =	rddreg [dreg:$0x6];
	[sflag:s10] =	ssyncadd.s32 $0xFFFF8000  }
0x37: {  	[hbm4b:s19+s2] =	stream.linear.scatter [tilespmem:s6], [sflag:$0x5], $0x8000, $0x38;
	[tilespmem:$0x1B400] =	vst v63  }
0x38: {  	_ =	swait.ge [sflag:s11], $0x8000  }
0x39: {  	[sflag:s11] =	ssyncset.done $0x0  }
0x3a: {  	s19 =	simm.s32 $0x1800;
	[sflag:s11] =	ssyncadd.s32 $0xFFFF8000  }
0x3b: {  	[tilespmem:s6], [sflag:$0x2] =	stream.indirect.gather [hbm4b:s4+s5], $0x20, s19, s5, $0xb8;
	[tilespmem:$0x1B400] =	vst v63  }
0x3c: {  	_ =	swait.ge [sflag:s13], $0x8000  }
0x3d: {  	[sflag:s13] =	ssyncset.done $0x0  }
0x3e: {  	s20 =	rddreg [dreg:$0x7];
	[sflag:s13] =	ssyncadd.s32 $0xFFFF8000  }
0x3f: {  	[hbm4b:s20+s2] =	stream.linear.scatter [tilespmem:s7], [sflag:$0x6], $0x8000, $0x38;
	[tilespmem:$0x1B400] =	vst v63  }
0x40: {  	_ =	swait.ge [sflag:s14], $0x8000  }
0x41: {  	[sflag:s14] =	ssyncset.done $0x0  }
0x42: {  	s20 =	simm.s32 $0x1C00;
	[sflag:s14] =	ssyncadd.s32 $0xFFFF8000  }
0x43: {  	[tilespmem:s7], [sflag:$0x3] =	stream.indirect.gather [hbm4b:s4+s5], $0x20, s20, s5, $0xb8;
	[tilespmem:$0x1B400] =	vst v63  }
0x44: {  	_ =	swait.ge [sflag:s16], $0x8000  }
0x45: {  	[sflag:s16] =	ssyncset.done $0x0  }
0x46: {  	s21 =	rddreg [dreg:$0x8];
	[sflag:s16] =	ssyncadd.s32 $0xFFFF8000  }
0x47: {  	[hbm4b:s21+s2] =	stream.linear.scatter [tilespmem:s9], [sflag:$0x7], $0x8000, $0x38;
	[tilespmem:$0x1B400] =	vst v63  }
0x48: {  	_ =	swait.ge [sflag:s17], $0x8000  }
0x49: {  	[sflag:s17] =	ssyncset.done $0x0  }
0x4a: {  	s21 =	simm.s32 $0x2000;
	[sflag:s17] =	ssyncadd.s32 $0xFFFF8000  }
0x4b: {  	[tilespmem:s9], [sflag:$0x4] =	stream.indirect.gather [hbm4b:s4+s5], $0x20, s21, s5, $0xb8;
	[tilespmem:$0x1B400] =	vst v63  }
0x4c: {  	_ =	swait.ge [sflag:s10], $0x8000  }
0x4d: {  	[sflag:s10] =	ssyncset.done $0x0  }
0x4e: {  	s22 =	rddreg [dreg:$0x9];
	[sflag:s10] =	ssyncadd.s32 $0xFFFF8000  }
0x4f: {  	[hbm4b:s22+s2] =	stream.linear.scatter [tilespmem:s6], [sflag:$0x5], $0x8000, $0x38;
	[tilespmem:$0x1B400] =	vst v63  }
0x50: {  	_ =	swait.ge [sflag:s11], $0x8000  }
0x51: {  	[sflag:s11] =	ssyncset.done $0x0  }
0x52: {  	s22 =	simm.s32 $0x2400;
	[sflag:s11] =	ssyncadd.s32 $0xFFFF8000  }
0x53: {  	[tilespmem:s6], [sflag:$0x2] =	stream.indirect.gather [hbm4b:s4+s5], $0x20, s22, s5, $0xb8;
	[tilespmem:$0x1B400] =	vst v63  }
0x54: {  	_ =	swait.ge [sflag:s13], $0x8000  }
0x55: {  	[sflag:s13] =	ssyncset.done $0x0  }
0x56: {  	s23 =	rddreg [dreg:$0xa];
	[sflag:s13] =	ssyncadd.s32 $0xFFFF8000  }
0x57: {  	[hbm4b:s23+s2] =	stream.linear.scatter [tilespmem:s7], [sflag:$0x6], $0x8000, $0x38;
	[tilespmem:$0x1B400] =	vst v63  }
0x58: {  	_ =	swait.ge [sflag:s14], $0x8000  }
0x59: {  	[sflag:s14] =	ssyncset.done $0x0  }
0x5a: {  	s23 =	simm.s32 $0x2800;
	[sflag:s14] =	ssyncadd.s32 $0xFFFF8000  }
0x5b: {  	[tilespmem:s7], [sflag:$0x3] =	stream.indirect.gather [hbm4b:s4+s5], $0x20, s23, s5, $0xb8;
	[tilespmem:$0x1B400] =	vst v63  }
0x5c: {  	_ =	swait.ge [sflag:s16], $0x8000  }
0x5d: {  	[sflag:s16] =	ssyncset.done $0x0  }
0x5e: {  	s24 =	sadd.s32 $0x8000, s31;
	[sflag:s16] =	ssyncadd.s32 $0xFFFF8000  }
0x5f: {  	[hbm4b:s24+s2] =	stream.linear.scatter [tilespmem:s9], [sflag:$0x7], $0x8000, $0x38;
	[tilespmem:$0x1B400] =	vst v63  }
0x60: {  	_ =	swait.ge [sflag:s17], $0x8000  }
0x61: {  	[sflag:s17] =	ssyncset.done $0x0  }
0x62: {  	s25 =	simm.s32 $0x2C00;
	[sflag:s17] =	ssyncadd.s32 $0xFFFF8000  }
0x63: {  	[tilespmem:s9], [sflag:$0x4] =	stream.indirect.gather [hbm4b:s4+s5], $0x20, s25, s5, $0xb8;
	[tilespmem:$0x1B400] =	vst v63  }
0x64: {  	_ =	swait.ge [sflag:s10], $0x8000  }
0x65: {  	[sflag:s10] =	ssyncset.done $0x0  }
0x66: {  	s26 =	sadd.s32 $0x9000, s31;
	[sflag:s10] =	ssyncadd.s32 $0xFFFF8000  }
0x67: {  	[hbm4b:s26+s2] =	stream.linear.scatter [tilespmem:s6], [sflag:$0x5], $0x8000, $0x38;
	[tilespmem:$0x1B400] =	vst v63  }
0x68: {  	_ =	swait.ge [sflag:s11], $0x8000  }
0x69: {  	[sflag:s11] =	ssyncset.done $0x0  }
0x6a: {  	s28 =	simm.s32 $0x3000;
	[sflag:s11] =	ssyncadd.s32 $0xFFFF8000  }
0x6b: {  	[tilespmem:s6], [sflag:$0x2] =	stream.indirect.gather [hbm4b:s4+s5], $0x20, s28, s5, $0xb8;
	[tilespmem:$0x1B400] =	vst v63  }
0x6c: {  	_ =	swait.ge [sflag:s13], $0x8000  }
0x6d: {  	[sflag:s13] =	ssyncset.done $0x0  }
0x6e: {  	s29 =	sadd.s32 $0xA000, s31;
	[sflag:s13] =	ssyncadd.s32 $0xFFFF8000  }
0x6f: {  	[hbm4b:s29+s2] =	stream.linear.scatter [tilespmem:s7], [sflag:$0x6], $0x8000, $0x38;
	[tilespmem:$0x1B400] =	vst v63  }
0x70: {  	_ =	swait.ge [sflag:s16], $0x8000  }
0x71: {  	[sflag:s16] =	ssyncset.done $0x0  }
0x72: {  	s30 =	sadd.s32 $0xB000, s31;
	[sflag:s16] =	ssyncadd.s32 $0xFFFF8000  }
0x73: {  	[hbm4b:s30+s2] =	stream.linear.scatter [tilespmem:s9], [sflag:$0x7], $0x8000, $0x38;
	[tilespmem:$0x1B400] =	vst v63  }
0x74: {  	s1 =	ssub.s32 $0x2, s1;
	_ =	swait.ge [sflag:s10], $0x8000  }
0x75: {  	s0 =	sshrl.u32 s1, $0x1;
	[sflag:s10] =	ssyncset.done $0x0  }
0x76: {  	s0 =	ssub.s32 s1, s0;
	s31 =	sadd.s32 $0xC000, s31;
	[sflag:s10] =	ssyncadd.s32 $0xFFFF8000  }
0x77: {  	[hbm4b:s31+s2] =	stream.linear.scatter [tilespmem:s6], [sflag:$0x5], $0x8000, $0x38;
	[tilespmem:$0x1B400] =	vst v63  }
0x78: {  	s0 =	smax.u32 s0, $0x1;
	_ =	swait.ge [sflag:s14], $0x8000  }
0x79: {  	p0 =	sne.s32 s0, $0x1;
	[sflag:s14] =	ssyncset.done $0x0  }
.Ltmp0:
0x7a: {  	[sflag:s14] =	ssyncadd.s32 $0xFFFF8000;
	(pc) =	sbr.rel @!p0 .LBB2_2-.Ltmp0, $4  }
0x7b: {  	_ =	swait.ge [sflag:s17], $0x8000  }
0x7c: {  	[sflag:s17] =	ssyncset.done $0x0  }
0x7d: {  	[sflag:s17] =	ssyncadd.s32 $0xFFFF8000  }
0x7e: {  	s1 =	sadd.s32 $0xFFFFFFFF, s0;
	_ =	swait.ge [sflag:s11], $0x8000  }
.LBB2_1:
0x7f: {  	[sflag:s11] =	ssyncset.done $0x0  }
0x80: {  	s0 =	rddreg [dreg:$0x2];
	[sflag:s11] =	ssyncadd.s32 $0xFFFF8000  }
0x81: {  	[tilespmem:s2], [sflag:$0x1] =	stream.linear.gather [hbm4b:s0+s2], $0x3400, $0x38;
	[tilespmem:$0x1B400] =	vst v63  }
0x82: {  	_ =	swait.ge [sflag:s3], $0x3400  }
0x83: {  	[sflag:s3] =	ssyncset.done $0x0  }
0x84: {  	[sflag:s3] =	ssyncadd.s32 $0xFFFFCC00  }
0x85: {  	[tilespmem:s6], [sflag:$0x2] =	stream.indirect.gather [hbm4b:s4+s5], $0x20, s2, s5, $0xb8;
	[tilespmem:$0x1B400] =	vst v63  }
0x86: {  	_ = 	snop  }
0x87: {  	[tilespmem:s7], [sflag:$0x3] =	stream.indirect.gather [hbm4b:s4+s5], $0x20, s5, s5, $0xb8;
	[tilespmem:$0x1B400] =	vst v63  }
0x88: {  	_ = 	snop  }
0x89: {  	[tilespmem:s9], [sflag:$0x4] =	stream.indirect.gather [hbm4b:s4+s5], $0x20, s8, s5, $0xb8;
	[tilespmem:$0x1B400] =	vst v63  }
0x8a: {  	_ =	swait.ge [sflag:s10], $0x8000  }
0x8b: {  	[sflag:s10] =	ssyncset.done $0x0  }
0x8c: {  	s0 =	rddreg [dreg:$0x3];
	[sflag:s10] =	ssyncadd.s32 $0xFFFF8000  }
0x8d: {  	[hbm4b:s0+s2] =	stream.linear.scatter [tilespmem:s6], [sflag:$0x5], $0x8000, $0x38;
	[tilespmem:$0x1B400] =	vst v63  }
0x8e: {  	_ =	swait.ge [sflag:s11], $0x8000  }
0x8f: {  	[sflag:s11] =	ssyncset.done $0x0  }
0x90: {  	[sflag:s11] =	ssyncadd.s32 $0xFFFF8000  }
0x91: {  	[tilespmem:s6], [sflag:$0x2] =	stream.indirect.gather [hbm4b:s4+s5], $0x20, s12, s5, $0xb8;
	[tilespmem:$0x1B400] =	vst v63  }
0x92: {  	_ =	swait.ge [sflag:s13], $0x8000  }
0x93: {  	[sflag:s13] =	ssyncset.done $0x0  }
0x94: {  	s0 =	rddreg [dreg:$0x4];
	[sflag:s13] =	ssyncadd.s32 $0xFFFF8000  }
0x95: {  	[hbm4b:s0+s2] =	stream.linear.scatter [tilespmem:s7], [sflag:$0x6], $0x8000, $0x38;
	[tilespmem:$0x1B400] =	vst v63  }
0x96: {  	_ =	swait.ge [sflag:s14], $0x8000  }
0x97: {  	[sflag:s14] =	ssyncset.done $0x0  }
0x98: {  	[sflag:s14] =	ssyncadd.s32 $0xFFFF8000  }
0x99: {  	[tilespmem:s7], [sflag:$0x3] =	stream.indirect.gather [hbm4b:s4+s5], $0x20, s15, s5, $0xb8;
	[tilespmem:$0x1B400] =	vst v63  }
0x9a: {  	_ =	swait.ge [sflag:s16], $0x8000  }
0x9b: {  	[sflag:s16] =	ssyncset.done $0x0  }
0x9c: {  	s0 =	rddreg [dreg:$0x5];
	[sflag:s16] =	ssyncadd.s32 $0xFFFF8000  }
0x9d: {  	[hbm4b:s0+s2] =	stream.linear.scatter [tilespmem:s9], [sflag:$0x7], $0x8000, $0x38;
	[tilespmem:$0x1B400] =	vst v63  }
0x9e: {  	_ =	swait.ge [sflag:s17], $0x8000  }
0x9f: {  	[sflag:s17] =	ssyncset.done $0x0  }
0xa0: {  	[sflag:s17] =	ssyncadd.s32 $0xFFFF8000  }
0xa1: {  	[tilespmem:s9], [sflag:$0x4] =	stream.indirect.gather [hbm4b:s4+s5], $0x20, s18, s5, $0xb8;
	[tilespmem:$0x1B400] =	vst v63  }
0xa2: {  	_ =	swait.ge [sflag:s10], $0x8000  }
0xa3: {  	[sflag:s10] =	ssyncset.done $0x0  }
0xa4: {  	s0 =	rddreg [dreg:$0x6];
	[sflag:s10] =	ssyncadd.s32 $0xFFFF8000  }
0xa5: {  	[hbm4b:s0+s2] =	stream.linear.scatter [tilespmem:s6], [sflag:$0x5], $0x8000, $0x38;
	[tilespmem:$0x1B400] =	vst v63  }
0xa6: {  	_ =	swait.ge [sflag:s11], $0x8000  }
0xa7: {  	[sflag:s11] =	ssyncset.done $0x0  }
0xa8: {  	[sflag:s11] =	ssyncadd.s32 $0xFFFF8000  }
0xa9: {  	[tilespmem:s6], [sflag:$0x2] =	stream.indirect.gather [hbm4b:s4+s5], $0x20, s19, s5, $0xb8;
	[tilespmem:$0x1B400] =	vst v63  }
0xaa: {  	_ =	swait.ge [sflag:s13], $0x8000  }
0xab: {  	[sflag:s13] =	ssyncset.done $0x0  }
0xac: {  	s0 =	rddreg [dreg:$0x7];
	[sflag:s13] =	ssyncadd.s32 $0xFFFF8000  }
0xad: {  	[hbm4b:s0+s2] =	stream.linear.scatter [tilespmem:s7], [sflag:$0x6], $0x8000, $0x38;
	[tilespmem:$0x1B400] =	vst v63  }
0xae: {  	_ =	swait.ge [sflag:s14], $0x8000  }
0xaf: {  	[sflag:s14] =	ssyncset.done $0x0  }
0xb0: {  	[sflag:s14] =	ssyncadd.s32 $0xFFFF8000  }
0xb1: {  	[tilespmem:s7], [sflag:$0x3] =	stream.indirect.gather [hbm4b:s4+s5], $0x20, s20, s5, $0xb8;
	[tilespmem:$0x1B400] =	vst v63  }
0xb2: {  	_ =	swait.ge [sflag:s16], $0x8000  }
0xb3: {  	[sflag:s16] =	ssyncset.done $0x0  }
0xb4: {  	s0 =	rddreg [dreg:$0x8];
	[sflag:s16] =	ssyncadd.s32 $0xFFFF8000  }
0xb5: {  	[hbm4b:s0+s2] =	stream.linear.scatter [tilespmem:s9], [sflag:$0x7], $0x8000, $0x38;
	[tilespmem:$0x1B400] =	vst v63  }
0xb6: {  	_ =	swait.ge [sflag:s17], $0x8000  }
0xb7: {  	[sflag:s17] =	ssyncset.done $0x0  }
0xb8: {  	[sflag:s17] =	ssyncadd.s32 $0xFFFF8000  }
0xb9: {  	[tilespmem:s9], [sflag:$0x4] =	stream.indirect.gather [hbm4b:s4+s5], $0x20, s21, s5, $0xb8;
	[tilespmem:$0x1B400] =	vst v63  }
0xba: {  	_ =	swait.ge [sflag:s10], $0x8000  }
0xbb: {  	[sflag:s10] =	ssyncset.done $0x0  }
0xbc: {  	s0 =	rddreg [dreg:$0x9];
	[sflag:s10] =	ssyncadd.s32 $0xFFFF8000  }
0xbd: {  	[hbm4b:s0+s2] =	stream.linear.scatter [tilespmem:s6], [sflag:$0x5], $0x8000, $0x38;
	[tilespmem:$0x1B400] =	vst v63  }
0xbe: {  	_ =	swait.ge [sflag:s11], $0x8000  }
0xbf: {  	[sflag:s11] =	ssyncset.done $0x0  }
0xc0: {  	[sflag:s11] =	ssyncadd.s32 $0xFFFF8000  }
0xc1: {  	[tilespmem:s6], [sflag:$0x2] =	stream.indirect.gather [hbm4b:s4+s5], $0x20, s22, s5, $0xb8;
	[tilespmem:$0x1B400] =	vst v63  }
0xc2: {  	_ =	swait.ge [sflag:s13], $0x8000  }
0xc3: {  	[sflag:s13] =	ssyncset.done $0x0  }
0xc4: {  	s0 =	rddreg [dreg:$0xa];
	[sflag:s13] =	ssyncadd.s32 $0xFFFF8000  }
0xc5: {  	[hbm4b:s0+s2] =	stream.linear.scatter [tilespmem:s7], [sflag:$0x6], $0x8000, $0x38;
	[tilespmem:$0x1B400] =	vst v63  }
0xc6: {  	_ =	swait.ge [sflag:s14], $0x8000  }
0xc7: {  	[sflag:s14] =	ssyncset.done $0x0  }
0xc8: {  	[sflag:s14] =	ssyncadd.s32 $0xFFFF8000  }
0xc9: {  	[tilespmem:s7], [sflag:$0x3] =	stream.indirect.gather [hbm4b:s4+s5], $0x20, s23, s5, $0xb8;
	[tilespmem:$0x1B400] =	vst v63  }
0xca: {  	_ =	swait.ge [sflag:s16], $0x8000  }
0xcb: {  	[sflag:s16] =	ssyncset.done $0x0  }
0xcc: {  	[sflag:s16] =	ssyncadd.s32 $0xFFFF8000  }
0xcd: {  	[hbm4b:s24+s2] =	stream.linear.scatter [tilespmem:s9], [sflag:$0x7], $0x8000, $0x38;
	[tilespmem:$0x1B400] =	vst v63  }
0xce: {  	_ =	swait.ge [sflag:s17], $0x8000  }
0xcf: {  	[sflag:s17] =	ssyncset.done $0x0  }
0xd0: {  	[sflag:s17] =	ssyncadd.s32 $0xFFFF8000  }
0xd1: {  	[tilespmem:s9], [sflag:$0x4] =	stream.indirect.gather [hbm4b:s4+s5], $0x20, s25, s5, $0xb8;
	[tilespmem:$0x1B400] =	vst v63  }
0xd2: {  	_ =	swait.ge [sflag:s10], $0x8000  }
0xd3: {  	[sflag:s10] =	ssyncset.done $0x0  }
0xd4: {  	[sflag:s10] =	ssyncadd.s32 $0xFFFF8000  }
0xd5: {  	[hbm4b:s26+s2] =	stream.linear.scatter [tilespmem:s6], [sflag:$0x5], $0x8000, $0x38;
	[tilespmem:$0x1B400] =	vst v63  }
0xd6: {  	_ =	swait.ge [sflag:s11], $0x8000  }
0xd7: {  	[sflag:s11] =	ssyncset.done $0x0  }
0xd8: {  	[sflag:s11] =	ssyncadd.s32 $0xFFFF8000  }
0xd9: {  	[tilespmem:s6], [sflag:$0x2] =	stream.indirect.gather [hbm4b:s4+s5], $0x20, s28, s5, $0xb8;
	[tilespmem:$0x1B400] =	vst v63  }
0xda: {  	_ =	swait.ge [sflag:s13], $0x8000  }
0xdb: {  	[sflag:s13] =	ssyncset.done $0x0  }
0xdc: {  	[sflag:s13] =	ssyncadd.s32 $0xFFFF8000  }
0xdd: {  	[hbm4b:s29+s2] =	stream.linear.scatter [tilespmem:s7], [sflag:$0x6], $0x8000, $0x38;
	[tilespmem:$0x1B400] =	vst v63  }
0xde: {  	_ =	swait.ge [sflag:s16], $0x8000  }
0xdf: {  	[sflag:s16] =	ssyncset.done $0x0  }
0xe0: {  	[sflag:s16] =	ssyncadd.s32 $0xFFFF8000  }
0xe1: {  	[hbm4b:s30+s2] =	stream.linear.scatter [tilespmem:s9], [sflag:$0x7], $0x8000, $0x38;
	[tilespmem:$0x1B400] =	vst v63  }
0xe2: {  	_ =	swait.ge [sflag:s10], $0x8000  }
0xe3: {  	[sflag:s10] =	ssyncset.done $0x0  }
0xe4: {  	[sflag:s10] =	ssyncadd.s32 $0xFFFF8000  }
0xe5: {  	[hbm4b:s31+s2] =	stream.linear.scatter [tilespmem:s6], [sflag:$0x5], $0x8000, $0x38;
	[tilespmem:$0x1B400] =	vst v63  }
0xe6: {  	_ =	swait.ge [sflag:s14], $0x8000  }
0xe7: {  	p0 =	sne.s32 s1, $0x1;
	[sflag:s14] =	ssyncset.done $0x0  }
.Ltmp1:
0xe8: {  	[sflag:s14] =	ssyncadd.s32 $0xFFFF8000;
	(pc) =	sbr.rel @p0 .LBB2_1-.Ltmp1, $4  }
0xe9: {  	_ =	swait.ge [sflag:s17], $0x8000  }
0xea: {  	[sflag:s17] =	ssyncset.done $0x0  }
0xeb: {  	[sflag:s17] =	ssyncadd.s32 $0xFFFF8000  }
0xec: {  	s1 =	sadd.s32 $0xFFFFFFFF, s1;
	_ =	swait.ge [sflag:s11], $0x8000  }
.LBB2_2:
0xed: {  	[sflag:s11] =	ssyncset.done $0x0  }
0xee: {  	[sflag:s11] =	ssyncadd.s32 $0xFFFF8000  }
0xef: {  	_ =	sfence.sel $0x180000  }
0xf0: {  	[bflag:$0x0] =	sbarrier.arrive $0xFFFF  }
0xf1: {  	_ =	strace $0x90000047  }
0xf2: {  	s0 =	stileid.u32;
	[bflag:$0x2] =	sbarrier.arrive $0xFFFF  }
0xf3: {  	p0 =	sne.s32 s0, $0x0;
	s0 =	rddreg [dreg:$0x1]  }
0xf4: {  	s0 =	sadd.s32 @!p0 $0x100000, s0  }
0xf5: {  	[sflag:s0] =	ssyncadd.tile.s32 @!p0 $0x1;
	_ =	shalt  }
.Lfunc_end2:
_tile_overlayer_lowered:
.L_overlay_start_2:
0xf6: {  	(tag) =	ssettag $0x2  }
0xf7: {  	s0 =	rddreg [dreg:$0x0];
	s2 =	stileid.u32  }
0xf8: {  	s1 =	rddreg [dreg:$0x1];
	p0 =	sne.s32 s2, $0x0  }
0xf9: {  	s3 =	rddreg [dreg:$0x2];
	[bflag:$0x3] =	sbarrier.arrive $0xFFFF;
	s2 =	simm.s32 @!p0 $0x1C08  }
0xfa: {  	[timem:s3], [sflag:s2] =	dma.local @!p0 [hbm:s0], s1  }
0xfb: {  	s0 =	simm.s32 @!p0 $0x8  }
0xfc: {  	_ =	swait.ge @!p0 [sflag:s0], s1  }
0xfd: {  	s1 =	ssub.s32 @!p0 $0x0, s1;
	[sflag:s0] =	ssyncset.done @!p0 $0x0  }
0xfe: {  	[sflag:s0] =	ssyncadd.s32 @!p0 s1  }
0xff: {  	[bflag:$0x3] =	sbarrier.arrive $0xFFFF  }
0x100: {  	_ =	shalt  }

</sc_bundles>
